<compile_context>
chip_gen: v7x
topology: tpu7x:2x2x1
jax: 0.10.2.dev20260603
libtpu: 0.0.44.dev20260713+nightly
codegen_flags: <defaults>
</compile_context>

<pallas_src>
import functools

import jax
import jax.numpy as jnp
from jax import lax
from jax.experimental import pallas as pl
from jax.experimental.pallas import tpu as pltpu
from jax.experimental.pallas import tpu_sc as plsc

_N = 10000
_IN = 128
_H = 64
_OUT = 2
_G = 128
_E = 320000

_NC = 2
_NS = 16
_NW = _NC * _NS

_NP = 10240
_RT = _NP // _NS

_C = 128
_NCH = -(-_E // (_NW * _C))
_EPW = _NCH * _C
_EP = _EPW * _NW


def _make_seg_sum(F):
  mesh = plsc.VectorSubcoreMesh(core_axis_name="c", subcore_axis_name="s")

  @functools.partial(
      pl.kernel,
      out_type=jax.ShapeDtypeStruct((_NC, _NP, F), jnp.float32),
      mesh=mesh,
      scratch_types=[
          pltpu.VMEM((_NCH, _C), jnp.int32),
          pltpu.VMEM((_NCH, _C), jnp.int32),
          pltpu.VMEM((_C, F), jnp.float32),
          pltpu.VMEM_SHARED((_NP, F), jnp.float32),
          pltpu.SemaphoreType.DMA,
      ],
      compiler_params=pltpu.CompilerParams(use_tc_tiling_on_sc=False),
  )
  def seg_sum(h_hbm, srcb_hbm, dstb_hbm, zb_hbm, out_hbm,
              src_v, dst_v, rows_v, acc_sh, sem):
    c = lax.axis_index("c")
    s = lax.axis_index("s")
    wid = s * _NC + c
    pltpu.sync_copy(srcb_hbm.at[wid], src_v)
    pltpu.sync_copy(dstb_hbm.at[wid], dst_v)
    pltpu.sync_copy(zb_hbm, acc_sh.at[pl.ds(s * _RT, _RT)])
    plsc.subcore_barrier()

    def chunk(j, carry):
      pltpu.async_copy(h_hbm.at[src_v.at[j]], rows_v, sem).wait()
      pltpu.sync_copy(rows_v, acc_sh.at[dst_v.at[j]], add=True)
      return carry

    lax.fori_loop(0, _NCH, chunk, 0)
    plsc.subcore_barrier()
    pltpu.sync_copy(acc_sh.at[pl.ds(s * _RT, _RT)],
                    out_hbm.at[c].at[pl.ds(s * _RT, _RT)])

  return seg_sum


_seg_sum_cache = {}


def _seg_sum(F):
  if F not in _seg_sum_cache:
    _seg_sum_cache[F] = _make_seg_sum(F)
  return _seg_sum_cache[F]


def _bn(h, g, b):
  mu = jnp.mean(h, axis=0, keepdims=True)
  var = jnp.mean((h - mu) ** 2, axis=0, keepdims=True)
  return g * (h - mu) / jnp.sqrt(var + 1e-5) + b


def _mm(a, w):
  return jnp.dot(a, w, preferred_element_type=jnp.float32)


def _tc_layer_body(h_ref, agg_ref, w0, b0, g0, be0, w1, b1, g1, be1,
                   w2, b2, og, obeta, out_ref):
  z = h_ref[...] + agg_ref[0, :_N, :] + agg_ref[1, :_N, :]
  h = _mm(z, w0[...]) + b0[...]
  h = jnp.maximum(_bn(h, g0[...], be0[...]), 0.0)
  h = _mm(h, w1[...]) + b1[...]
  h = jnp.maximum(_bn(h, g1[...], be1[...]), 0.0)
  h = _mm(h, w2[...]) + b2[...]
  h = jnp.maximum(_bn(h, og[...], obeta[...]), 0.0)
  out_ref[...] = h


def _tc_pool_body(*refs):
  x_ref, h1_ref, h2_ref, h3_ref, batch_ref = refs[:5]
  wrefs = refs[5:29]
  out_ref = refs[29]
  b = batch_ref[...]
  gid = lax.broadcasted_iota(jnp.int32, (_G, _N), 0)
  p = (gid == b).astype(jnp.float32)
  hiddens = (x_ref[...], h1_ref[...], h2_ref[...], h3_ref[...])
  score = jnp.zeros((_G, _OUT), jnp.float32)
  for i in range(4):
    pooled = jnp.dot(p, hiddens[i], preferred_element_type=jnp.float32, precision=lax.Precision.HIGHEST)
    w0, b0, w1, b1, w2, b2 = (wrefs[6 * i + j][...] for j in range(6))
    t = jnp.maximum(_mm(pooled, w0) + b0, 0.0)
    t = jnp.maximum(_mm(t, w1) + b1, 0.0)
    score = score + _mm(t, w2) + b2
  out_ref[...] = score


def kernel(x, edge_index, batch, conv_params, outer_bn, mlp_params):
  def pack():
    pad = _EP - _E
    sb = jnp.concatenate([edge_index[0], jnp.zeros((pad,), jnp.int32)]
                         ).reshape(_NW, _NCH, _C)
    db = jnp.concatenate([edge_index[1], jnp.full((pad,), _N, jnp.int32)]
                         ).reshape(_NW, _NCH, _C)
    return sb, db

  srcb, dstb = pack()
  batch2 = batch.reshape(1, _N)

  hidden = [x]
  h = x
  for i in range(3):
    F = _IN if i == 0 else _H
    zb = jnp.zeros((_RT, F), jnp.float32)
    agg = _seg_sum(F)(h, srcb, dstb, zb)
    cp, ob = conv_params[i], outer_bn[i]
    args = (
        h, agg,
        cp['W'][0], cp['b'][0].reshape(1, -1),
        cp['gamma'][0].reshape(1, -1), cp['beta'][0].reshape(1, -1),
        cp['W'][1], cp['b'][1].reshape(1, -1),
        cp['gamma'][1].reshape(1, -1), cp['beta'][1].reshape(1, -1),
        cp['W'][2], cp['b'][2].reshape(1, -1),
        ob['gamma'].reshape(1, -1), ob['beta'].reshape(1, -1),
    )
    h = pl.pallas_call(
        _tc_layer_body,
        out_shape=jax.ShapeDtypeStruct((_N, _H), jnp.float32),
    )(*args)
    hidden.append(h)

  wargs = []
  for i in range(4):
    mp = mlp_params[i]
    for j in range(3):
      wargs += [mp['W'][j], mp['b'][j].reshape(1, -1)]
  score = pl.pallas_call(
      _tc_pool_body,
      out_shape=jax.ShapeDtypeStruct((_G, _OUT), jnp.float32),
  )(hidden[0], hidden[1], hidden[2], hidden[3], batch2, *wargs)
  return score

# --- scband reference (transcript-rebuilt; emitter-appended) ---
"""Pipeline reference for scband-gin-747324309861 (READ-ONLY COPY).

The authoritative reference and input builder live on the scoring server;
editing this copy changes nothing except your own understanding.
"""

import jax, jax.numpy as jnp
import numpy as np

N = 10000
E = 320000
IN = 128
H = 64
OUT = 2
G = 128

def _lin_init(k, a, b):
    w = jax.random.normal(k, (a, b), dtype=jnp.float32) * (1.0 / np.sqrt(a))
    return w, jnp.zeros((b,), dtype=jnp.float32)

def setup_inputs(seed: int = 0):
    key = jax.random.key(seed)
    ks = list(jax.random.split(key, 64))
    kit = iter(ks)
    x = jax.random.normal(next(kit), (N, IN), dtype=jnp.float32)
    edge_index = jax.random.randint(next(kit), (2, E), 0, N, dtype=jnp.int32)
    batch = jnp.sort(jax.random.randint(next(kit), (N,), 0, G, dtype=jnp.int32))
    conv_params = []
    for i in range(3):
        dims = [IN if i == 0 else H, H, H, H]
        Ws, bs = [], []
        for j in range(3):
            w, b = _lin_init(next(kit), dims[j], dims[j + 1])
            Ws.append(w); bs.append(b)
        conv_params.append({'W': Ws, 'b': bs,
                            'gamma': [jnp.ones((H,), jnp.float32) for _ in range(2)],
                            'beta': [jnp.zeros((H,), jnp.float32) for _ in range(2)]})
    outer_bn = [{'gamma': jnp.ones((H,), jnp.float32), 'beta': jnp.zeros((H,), jnp.float32)} for _ in range(3)]
    mlp_params = []
    for i in range(4):
        dims = [IN if i == 0 else H, H, H, OUT]
        Ws, bs = [], []
        for j in range(3):
            w, b = _lin_init(next(kit), dims[j], dims[j + 1])
            Ws.append(w); bs.append(b)
        mlp_params.append({'W': Ws, 'b': bs})
    return {'x': x, 'edge_index': edge_index, 'batch': batch,
            'conv_params': conv_params, 'outer_bn': outer_bn, 'mlp_params': mlp_params}

def _bn(h, g, b, eps=1e-5):
    mu = h.mean(axis=0)
    var = h.var(axis=0)
    return g * (h - mu) / jnp.sqrt(var + eps) + b

def _conv_mlp(h, p):
    # PyG MLP([d_in, H, H, H], norm='batch_norm', act='relu'): lin->bn->relu twice, plain last lin
    for j in range(2):
        h = h @ p['W'][j] + p['b'][j]
        h = _bn(h, p['gamma'][j], p['beta'][j])
        h = jax.nn.relu(h)
    return h @ p['W'][2] + p['b'][2]

def _out_mlp(h, p):
    # PyG MLP([d_in, H, H, OUT], norm=None, act='relu'): lin->relu twice, plain last lin (dropout=0)
    for j in range(2):
        h = h @ p['W'][j] + p['b'][j]
        h = jax.nn.relu(h)
    return h @ p['W'][2] + p['b'][2]

def reference(x, edge_index, batch, conv_params, outer_bn, mlp_params):
    src, dst = edge_index[0], edge_index[1]
    hidden = [x]
    h = x
    for i in range(3):
        # GINConv, train_eps=False => eps=0: mlp((1+0)*x + sum_{j in N(i)} x_j)
        agg = jax.ops.segment_sum(h[src], dst, num_segments=N)
        h = _conv_mlp(h + agg, conv_params[i])
        h = _bn(h, outer_bn[i]['gamma'], outer_bn[i]['beta'])
        h = jax.nn.relu(h)
        hidden.append(h)
    score = jnp.zeros((G, OUT), dtype=jnp.float32)
    for i in range(4):
        pooled = jax.ops.segment_sum(hidden[i], batch, num_segments=G)  # global_add_pool
        score = score + _out_mlp(pooled, mlp_params[i])
    return score

if __name__ == "__main__":
    import jax
    _d = setup_inputs()
    print(jax.jit(kernel)(*tuple(_d.values())))

</pallas_src>

<mosaic_0001>
#map = affine_map<(d0, d1) -> (0, 0)>
#map1 = affine_map<(d0, d1) -> (0, 0, 0)>
module attributes {stable_mosaic.version = 14 : i64} {
  func.func @seg_sum(%arg0: i32, %arg1: i32, %arg2: memref<10000x128xf32, #tpu.memory_space<hbm>>, %arg3: memref<32x79x128xi32, #tpu.memory_space<hbm>>, %arg4: memref<32x79x128xi32, #tpu.memory_space<hbm>>, %arg5: memref<640x128xf32, #tpu.memory_space<hbm>>, %arg6: memref<2x10240x128xf32, #tpu.memory_space<hbm>>, %arg7: memref<79x128xi32, #tpu.memory_space<vmem>>, %arg8: memref<79x128xi32, #tpu.memory_space<vmem>>, %arg9: memref<128x128xf32, #tpu.memory_space<vmem>>, %arg10: memref<10240x128xf32, #tpu.memory_space<vmem_shared>>, %arg11: memref<!tpu.dma_semaphore, #tpu.memory_space<semaphore_mem>>) attributes {dimension_semantics = [#tpu.dimension_semantics<core_parallel>, #tpu.dimension_semantics<subcore_parallel>], iteration_bounds = array<i64: 2, 16>, scalar_prefetch = 0 : i64, scratch_operands = 5 : i64, tpu.core_type = #tpu.core_type<sc_vector_subcore>, window_params = [{transform_indices = #map}, {transform_indices = #map1}, {transform_indices = #map1}, {transform_indices = #map}, {transform_indices = #map1}]} {
    %mul3A = arith.constant 2 : i32
    %mul3A_0 = arith.muli %arg1, %mul3A : i32
    %add3A = arith.addi %mul3A_0, %arg0 : i32
    "tpu.region"() ({
      %run_scoped3A = tpu.sem_alloc : memref<!tpu.dma_semaphore, #tpu.memory_space<semaphore_mem>>
      %dma_start3A = arith.constant 0 : i32
      %dma_start3A_13 = arith.constant 0 : i32
      %dma_start3A_14 = tpu.memref_slice %arg3[%add3A, %dma_start3A, %dma_start3A_13] : memref<32x79x128xi32, #tpu.memory_space<hbm>> -> memref<1x79x128xi32, #tpu.memory_space<hbm>>
      %dma_start3A_15 = tpu.memref_squeeze %dma_start3A_14 : memref<1x79x128xi32, #tpu.memory_space<hbm>> -> memref<79x128xi32, #tpu.memory_space<hbm>>
      %dma_start3A_16 = arith.constant 0 : i32
      %dma_start3A_17 = arith.constant 0 : i32
      %dma_start3A_18 = tpu.memref_slice %arg3[%add3A, %dma_start3A_16, %dma_start3A_17] : memref<32x79x128xi32, #tpu.memory_space<hbm>> -> memref<1x79x128xi32, #tpu.memory_space<hbm>>
      %dma_start3A_19 = tpu.memref_squeeze %dma_start3A_18 : memref<1x79x128xi32, #tpu.memory_space<hbm>> -> memref<79x128xi32, #tpu.memory_space<hbm>>
      tpu.enqueue_dma source(%dma_start3A_19 : memref<79x128xi32, #tpu.memory_space<hbm>>) target(%arg7 : memref<79x128xi32, #tpu.memory_space<vmem>>) target_semaphore(%run_scoped3A : memref<!tpu.dma_semaphore, #tpu.memory_space<semaphore_mem>>)
      %dma_wait3A = arith.constant 0 : i32
      %dma_wait3A_20 = arith.constant 0 : i32
      %dma_wait3A_21 = tpu.memref_slice %arg3[%add3A, %dma_wait3A, %dma_wait3A_20] : memref<32x79x128xi32, #tpu.memory_space<hbm>> -> memref<1x79x128xi32, #tpu.memory_space<hbm>>
      %dma_wait3A_22 = tpu.memref_squeeze %dma_wait3A_21 : memref<1x79x128xi32, #tpu.memory_space<hbm>> -> memref<79x128xi32, #tpu.memory_space<hbm>>
      %dma_wait3A_23 = arith.constant 0 : i32
      %dma_wait3A_24 = arith.constant 0 : i32
      %dma_wait3A_25 = tpu.memref_slice %arg3[%add3A, %dma_wait3A_23, %dma_wait3A_24] : memref<32x79x128xi32, #tpu.memory_space<hbm>> -> memref<1x79x128xi32, #tpu.memory_space<hbm>>
      %dma_wait3A_26 = tpu.memref_squeeze %dma_wait3A_25 : memref<1x79x128xi32, #tpu.memory_space<hbm>> -> memref<79x128xi32, #tpu.memory_space<hbm>>
      tpu.wait_dma2 semaphore(%run_scoped3A : memref<!tpu.dma_semaphore, #tpu.memory_space<semaphore_mem>>) src(%dma_wait3A_26 : memref<79x128xi32, #tpu.memory_space<hbm>>) dst(%arg7 : memref<79x128xi32, #tpu.memory_space<vmem>>)
      tpu.yield
    }) : () -> ()
    "tpu.region"() ({
      %run_scoped3A = tpu.sem_alloc : memref<!tpu.dma_semaphore, #tpu.memory_space<semaphore_mem>>
      %dma_start3A = arith.constant 0 : i32
      %dma_start3A_13 = arith.constant 0 : i32
      %dma_start3A_14 = tpu.memref_slice %arg4[%add3A, %dma_start3A, %dma_start3A_13] : memref<32x79x128xi32, #tpu.memory_space<hbm>> -> memref<1x79x128xi32, #tpu.memory_space<hbm>>
      %dma_start3A_15 = tpu.memref_squeeze %dma_start3A_14 : memref<1x79x128xi32, #tpu.memory_space<hbm>> -> memref<79x128xi32, #tpu.memory_space<hbm>>
      %dma_start3A_16 = arith.constant 0 : i32
      %dma_start3A_17 = arith.constant 0 : i32
      %dma_start3A_18 = tpu.memref_slice %arg4[%add3A, %dma_start3A_16, %dma_start3A_17] : memref<32x79x128xi32, #tpu.memory_space<hbm>> -> memref<1x79x128xi32, #tpu.memory_space<hbm>>
      %dma_start3A_19 = tpu.memref_squeeze %dma_start3A_18 : memref<1x79x128xi32, #tpu.memory_space<hbm>> -> memref<79x128xi32, #tpu.memory_space<hbm>>
      tpu.enqueue_dma source(%dma_start3A_19 : memref<79x128xi32, #tpu.memory_space<hbm>>) target(%arg8 : memref<79x128xi32, #tpu.memory_space<vmem>>) target_semaphore(%run_scoped3A : memref<!tpu.dma_semaphore, #tpu.memory_space<semaphore_mem>>)
      %dma_wait3A = arith.constant 0 : i32
      %dma_wait3A_20 = arith.constant 0 : i32
      %dma_wait3A_21 = tpu.memref_slice %arg4[%add3A, %dma_wait3A, %dma_wait3A_20] : memref<32x79x128xi32, #tpu.memory_space<hbm>> -> memref<1x79x128xi32, #tpu.memory_space<hbm>>
      %dma_wait3A_22 = tpu.memref_squeeze %dma_wait3A_21 : memref<1x79x128xi32, #tpu.memory_space<hbm>> -> memref<79x128xi32, #tpu.memory_space<hbm>>
      %dma_wait3A_23 = arith.constant 0 : i32
      %dma_wait3A_24 = arith.constant 0 : i32
      %dma_wait3A_25 = tpu.memref_slice %arg4[%add3A, %dma_wait3A_23, %dma_wait3A_24] : memref<32x79x128xi32, #tpu.memory_space<hbm>> -> memref<1x79x128xi32, #tpu.memory_space<hbm>>
      %dma_wait3A_26 = tpu.memref_squeeze %dma_wait3A_25 : memref<1x79x128xi32, #tpu.memory_space<hbm>> -> memref<79x128xi32, #tpu.memory_space<hbm>>
      tpu.wait_dma2 semaphore(%run_scoped3A : memref<!tpu.dma_semaphore, #tpu.memory_space<semaphore_mem>>) src(%dma_wait3A_26 : memref<79x128xi32, #tpu.memory_space<hbm>>) dst(%arg8 : memref<79x128xi32, #tpu.memory_space<vmem>>)
      tpu.yield
    }) : () -> ()
    %mul3A_1 = arith.constant 640 : i32
    %mul3A_2 = arith.muli %arg1, %mul3A_1 : i32
    "tpu.region"() ({
      %run_scoped3A = tpu.sem_alloc : memref<!tpu.dma_semaphore, #tpu.memory_space<semaphore_mem>>
      %dma_start3A = arith.constant 0 : i32
      %dma_start3A_13 = tpu.memref_slice %arg10[%mul3A_2, %dma_start3A] : memref<10240x128xf32, #tpu.memory_space<vmem_shared>> -> memref<640x128xf32, #tpu.memory_space<vmem_shared>>
      tpu.enqueue_dma source(%arg5 : memref<640x128xf32, #tpu.memory_space<hbm>>) target(%dma_start3A_13 : memref<640x128xf32, #tpu.memory_space<vmem_shared>>) target_semaphore(%run_scoped3A : memref<!tpu.dma_semaphore, #tpu.memory_space<semaphore_mem>>)
      %dma_wait3A = arith.constant 0 : i32
      %dma_wait3A_14 = tpu.memref_slice %arg10[%mul3A_2, %dma_wait3A] : memref<10240x128xf32, #tpu.memory_space<vmem_shared>> -> memref<640x128xf32, #tpu.memory_space<vmem_shared>>
      tpu.wait_dma2 semaphore(%run_scoped3A : memref<!tpu.dma_semaphore, #tpu.memory_space<semaphore_mem>>) src(%arg5 : memref<640x128xf32, #tpu.memory_space<hbm>>) dst(%dma_wait3A_14 : memref<640x128xf32, #tpu.memory_space<vmem_shared>>)
      tpu.yield
    }) : () -> ()
    %barrier3A = arith.constant 0 : index
    tpu.barrier barrier_id(%barrier3A)
    %scan3A = arith.constant 0 : i32
    %scan3A_3 = arith.constant 0 : i32
    %scan3A_4 = arith.constant 79 : i32
    %scan3A_5 = arith.addi %scan3A_3, %scan3A_4 : i32
    %scan3A_6 = arith.constant 1 : i32
    scf.for %scan3A_13 = %scan3A_3 to %scan3A_5 step %scan3A_6  : i32 {
      %dma_start3A = arith.constant 0 : i32
      %dma_start3A_14 = tpu.memref_slice %arg7[%scan3A_13, %dma_start3A] : memref<79x128xi32, #tpu.memory_space<vmem>> -> memref<1x128xi32, #tpu.memory_space<vmem>>
      %dma_start3A_15 = tpu.memref_squeeze %dma_start3A_14 : memref<1x128xi32, #tpu.memory_space<vmem>> -> memref<128xi32, #tpu.memory_space<vmem>>
      %dma_start3A_16 = arith.constant 0 : i32
      %dma_start3A_17 = arith.constant 0 : i32
      %dma_start3A_18 = tpu.memref_slice %arg2[%dma_start3A_16, %dma_start3A_17] : memref<10000x128xf32, #tpu.memory_space<hbm>> -> memref<10000x128xf32, #tpu.memory_space<hbm>>
      tpu.enqueue_indirect_dma source(%dma_start3A_18 : memref<10000x128xf32, #tpu.memory_space<hbm>>) target(%arg9 : memref<128x128xf32, #tpu.memory_space<vmem>>) offsets(%dma_start3A_15 : memref<128xi32, #tpu.memory_space<vmem>>) semaphore(%arg11 : memref<!tpu.dma_semaphore, #tpu.memory_space<semaphore_mem>>)
      %dma_wait3A = arith.constant 0 : i32
      %dma_wait3A_19 = tpu.memref_slice %arg7[%scan3A_13, %dma_wait3A] : memref<79x128xi32, #tpu.memory_space<vmem>> -> memref<1x128xi32, #tpu.memory_space<vmem>>
      %dma_wait3A_20 = tpu.memref_squeeze %dma_wait3A_19 : memref<1x128xi32, #tpu.memory_space<vmem>> -> memref<128xi32, #tpu.memory_space<vmem>>
      %dma_wait3A_21 = arith.constant 0 : i32
      %dma_wait3A_22 = arith.constant 0 : i32
      %dma_wait3A_23 = tpu.memref_slice %arg2[%dma_wait3A_21, %dma_wait3A_22] : memref<10000x128xf32, #tpu.memory_space<hbm>> -> memref<10000x128xf32, #tpu.memory_space<hbm>>
      tpu.wait_indirect_dma semaphore(%arg11 : memref<!tpu.dma_semaphore, #tpu.memory_space<semaphore_mem>>) src(%dma_wait3A_23 : memref<10000x128xf32, #tpu.memory_space<hbm>>) dst(%arg9 : memref<128x128xf32, #tpu.memory_space<vmem>>)
      "tpu.region"() ({
        %run_scoped3A = tpu.sem_alloc : memref<!tpu.dma_semaphore, #tpu.memory_space<semaphore_mem>>
        %dma_start3A_24 = arith.constant 0 : i32
        %dma_start3A_25 = tpu.memref_slice %arg8[%scan3A_13, %dma_start3A_24] : memref<79x128xi32, #tpu.memory_space<vmem>> -> memref<1x128xi32, #tpu.memory_space<vmem>>
        %dma_start3A_26 = tpu.memref_squeeze %dma_start3A_25 : memref<1x128xi32, #tpu.memory_space<vmem>> -> memref<128xi32, #tpu.memory_space<vmem>>
        %dma_start3A_27 = arith.constant 0 : i32
        %dma_start3A_28 = arith.constant 0 : i32
        %dma_start3A_29 = tpu.memref_slice %arg10[%dma_start3A_27, %dma_start3A_28] : memref<10240x128xf32, #tpu.memory_space<vmem_shared>> -> memref<10240x128xf32, #tpu.memory_space<vmem_shared>>
        tpu.enqueue_indirect_dma source(%arg9 : memref<128x128xf32, #tpu.memory_space<vmem>>) target(%dma_start3A_29 : memref<10240x128xf32, #tpu.memory_space<vmem_shared>>) offsets(%dma_start3A_26 : memref<128xi32, #tpu.memory_space<vmem>>) semaphore(%run_scoped3A : memref<!tpu.dma_semaphore, #tpu.memory_space<semaphore_mem>>) {add = true}
        %dma_wait3A_30 = arith.constant 0 : i32
        %dma_wait3A_31 = tpu.memref_slice %arg8[%scan3A_13, %dma_wait3A_30] : memref<79x128xi32, #tpu.memory_space<vmem>> -> memref<1x128xi32, #tpu.memory_space<vmem>>
        %dma_wait3A_32 = tpu.memref_squeeze %dma_wait3A_31 : memref<1x128xi32, #tpu.memory_space<vmem>> -> memref<128xi32, #tpu.memory_space<vmem>>
        %dma_wait3A_33 = arith.constant 0 : i32
        %dma_wait3A_34 = arith.constant 0 : i32
        %dma_wait3A_35 = tpu.memref_slice %arg10[%dma_wait3A_33, %dma_wait3A_34] : memref<10240x128xf32, #tpu.memory_space<vmem_shared>> -> memref<10240x128xf32, #tpu.memory_space<vmem_shared>>
        tpu.wait_indirect_dma semaphore(%run_scoped3A : memref<!tpu.dma_semaphore, #tpu.memory_space<semaphore_mem>>) src(%arg9 : memref<128x128xf32, #tpu.memory_space<vmem>>) dst(%dma_wait3A_35 : memref<10240x128xf32, #tpu.memory_space<vmem_shared>>)
        tpu.yield
      }) : () -> ()
    }
    %scan3A_7 = arith.constant 79 : i32
    %barrier3A_8 = arith.constant 0 : index
    tpu.barrier barrier_id(%barrier3A_8)
    %mul3A_9 = arith.constant 640 : i32
    %mul3A_10 = arith.muli %arg1, %mul3A_9 : i32
    %mul3A_11 = arith.constant 640 : i32
    %mul3A_12 = arith.muli %arg1, %mul3A_11 : i32
    "tpu.region"() ({
      %run_scoped3A = tpu.sem_alloc : memref<!tpu.dma_semaphore, #tpu.memory_space<semaphore_mem>>
      %dma_start3A = arith.constant 0 : i32
      %dma_start3A_13 = arith.constant 0 : i32
      %dma_start3A_14 = tpu.memref_slice %arg6[%arg0, %dma_start3A, %dma_start3A_13] : memref<2x10240x128xf32, #tpu.memory_space<hbm>> -> memref<1x10240x128xf32, #tpu.memory_space<hbm>>
      %dma_start3A_15 = tpu.memref_squeeze %dma_start3A_14 : memref<1x10240x128xf32, #tpu.memory_space<hbm>> -> memref<10240x128xf32, #tpu.memory_space<hbm>>
      %dma_start3A_16 = arith.constant 0 : i32
      %dma_start3A_17 = tpu.memref_slice %dma_start3A_15[%mul3A_12, %dma_start3A_16] : memref<10240x128xf32, #tpu.memory_space<hbm>> -> memref<640x128xf32, #tpu.memory_space<hbm>>
      %dma_start3A_18 = arith.constant 0 : i32
      %dma_start3A_19 = tpu.memref_slice %arg10[%mul3A_10, %dma_start3A_18] : memref<10240x128xf32, #tpu.memory_space<vmem_shared>> -> memref<640x128xf32, #tpu.memory_space<vmem_shared>>
      tpu.enqueue_dma source(%dma_start3A_19 : memref<640x128xf32, #tpu.memory_space<vmem_shared>>) target(%dma_start3A_17 : memref<640x128xf32, #tpu.memory_space<hbm>>) target_semaphore(%run_scoped3A : memref<!tpu.dma_semaphore, #tpu.memory_space<semaphore_mem>>)
      %dma_wait3A = arith.constant 0 : i32
      %dma_wait3A_20 = arith.constant 0 : i32
      %dma_wait3A_21 = tpu.memref_slice %arg6[%arg0, %dma_wait3A, %dma_wait3A_20] : memref<2x10240x128xf32, #tpu.memory_space<hbm>> -> memref<1x10240x128xf32, #tpu.memory_space<hbm>>
      %dma_wait3A_22 = tpu.memref_squeeze %dma_wait3A_21 : memref<1x10240x128xf32, #tpu.memory_space<hbm>> -> memref<10240x128xf32, #tpu.memory_space<hbm>>
      %dma_wait3A_23 = arith.constant 0 : i32
      %dma_wait3A_24 = tpu.memref_slice %dma_wait3A_22[%mul3A_12, %dma_wait3A_23] : memref<10240x128xf32, #tpu.memory_space<hbm>> -> memref<640x128xf32, #tpu.memory_space<hbm>>
      %dma_wait3A_25 = arith.constant 0 : i32
      %dma_wait3A_26 = tpu.memref_slice %arg10[%mul3A_10, %dma_wait3A_25] : memref<10240x128xf32, #tpu.memory_space<vmem_shared>> -> memref<640x128xf32, #tpu.memory_space<vmem_shared>>
      tpu.wait_dma2 semaphore(%run_scoped3A : memref<!tpu.dma_semaphore, #tpu.memory_space<semaphore_mem>>) src(%dma_wait3A_26 : memref<640x128xf32, #tpu.memory_space<vmem_shared>>) dst(%dma_wait3A_24 : memref<640x128xf32, #tpu.memory_space<hbm>>)
      tpu.yield
    }) : () -> ()
    return
  }
}

#map = affine_map<(d0, d1) -> (0, 0)>
#map1 = affine_map<(d0, d1) -> (0, 0, 0)>
module attributes {stable_mosaic.version = 14 : i64} {
  func.func @seg_sum(%arg0: i32, %arg1: i32, %arg2: memref<10000x64xf32, #tpu.memory_space<hbm>>, %arg3: memref<32x79x128xi32, #tpu.memory_space<hbm>>, %arg4: memref<32x79x128xi32, #tpu.memory_space<hbm>>, %arg5: memref<640x64xf32, #tpu.memory_space<hbm>>, %arg6: memref<2x10240x64xf32, #tpu.memory_space<hbm>>, %arg7: memref<79x128xi32, #tpu.memory_space<vmem>>, %arg8: memref<79x128xi32, #tpu.memory_space<vmem>>, %arg9: memref<128x64xf32, #tpu.memory_space<vmem>>, %arg10: memref<10240x64xf32, #tpu.memory_space<vmem_shared>>, %arg11: memref<!tpu.dma_semaphore, #tpu.memory_space<semaphore_mem>>) attributes {dimension_semantics = [#tpu.dimension_semantics<core_parallel>, #tpu.dimension_semantics<subcore_parallel>], iteration_bounds = array<i64: 2, 16>, scalar_prefetch = 0 : i64, scratch_operands = 5 : i64, tpu.core_type = #tpu.core_type<sc_vector_subcore>, window_params = [{transform_indices = #map}, {transform_indices = #map1}, {transform_indices = #map1}, {transform_indices = #map}, {transform_indices = #map1}]} {
    %mul3A = arith.constant 2 : i32
    %mul3A_0 = arith.muli %arg1, %mul3A : i32
    %add3A = arith.addi %mul3A_0, %arg0 : i32
    "tpu.region"() ({
      %run_scoped3A = tpu.sem_alloc : memref<!tpu.dma_semaphore, #tpu.memory_space<semaphore_mem>>
      %dma_start3A = arith.constant 0 : i32
      %dma_start3A_13 = arith.constant 0 : i32
      %dma_start3A_14 = tpu.memref_slice %arg3[%add3A, %dma_start3A, %dma_start3A_13] : memref<32x79x128xi32, #tpu.memory_space<hbm>> -> memref<1x79x128xi32, #tpu.memory_space<hbm>>
      %dma_start3A_15 = tpu.memref_squeeze %dma_start3A_14 : memref<1x79x128xi32, #tpu.memory_space<hbm>> -> memref<79x128xi32, #tpu.memory_space<hbm>>
      %dma_start3A_16 = arith.constant 0 : i32
      %dma_start3A_17 = arith.constant 0 : i32
      %dma_start3A_18 = tpu.memref_slice %arg3[%add3A, %dma_start3A_16, %dma_start3A_17] : memref<32x79x128xi32, #tpu.memory_space<hbm>> -> memref<1x79x128xi32, #tpu.memory_space<hbm>>
      %dma_start3A_19 = tpu.memref_squeeze %dma_start3A_18 : memref<1x79x128xi32, #tpu.memory_space<hbm>> -> memref<79x128xi32, #tpu.memory_space<hbm>>
      tpu.enqueue_dma source(%dma_start3A_19 : memref<79x128xi32, #tpu.memory_space<hbm>>) target(%arg7 : memref<79x128xi32, #tpu.memory_space<vmem>>) target_semaphore(%run_scoped3A : memref<!tpu.dma_semaphore, #tpu.memory_space<semaphore_mem>>)
      %dma_wait3A = arith.constant 0 : i32
      %dma_wait3A_20 = arith.constant 0 : i32
      %dma_wait3A_21 = tpu.memref_slice %arg3[%add3A, %dma_wait3A, %dma_wait3A_20] : memref<32x79x128xi32, #tpu.memory_space<hbm>> -> memref<1x79x128xi32, #tpu.memory_space<hbm>>
      %dma_wait3A_22 = tpu.memref_squeeze %dma_wait3A_21 : memref<1x79x128xi32, #tpu.memory_space<hbm>> -> memref<79x128xi32, #tpu.memory_space<hbm>>
      %dma_wait3A_23 = arith.constant 0 : i32
      %dma_wait3A_24 = arith.constant 0 : i32
      %dma_wait3A_25 = tpu.memref_slice %arg3[%add3A, %dma_wait3A_23, %dma_wait3A_24] : memref<32x79x128xi32, #tpu.memory_space<hbm>> -> memref<1x79x128xi32, #tpu.memory_space<hbm>>
      %dma_wait3A_26 = tpu.memref_squeeze %dma_wait3A_25 : memref<1x79x128xi32, #tpu.memory_space<hbm>> -> memref<79x128xi32, #tpu.memory_space<hbm>>
      tpu.wait_dma2 semaphore(%run_scoped3A : memref<!tpu.dma_semaphore, #tpu.memory_space<semaphore_mem>>) src(%dma_wait3A_26 : memref<79x128xi32, #tpu.memory_space<hbm>>) dst(%arg7 : memref<79x128xi32, #tpu.memory_space<vmem>>)
      tpu.yield
    }) : () -> ()
    "tpu.region"() ({
      %run_scoped3A = tpu.sem_alloc : memref<!tpu.dma_semaphore, #tpu.memory_space<semaphore_mem>>
      %dma_start3A = arith.constant 0 : i32
      %dma_start3A_13 = arith.constant 0 : i32
      %dma_start3A_14 = tpu.memref_slice %arg4[%add3A, %dma_start3A, %dma_start3A_13] : memref<32x79x128xi32, #tpu.memory_space<hbm>> -> memref<1x79x128xi32, #tpu.memory_space<hbm>>
      %dma_start3A_15 = tpu.memref_squeeze %dma_start3A_14 : memref<1x79x128xi32, #tpu.memory_space<hbm>> -> memref<79x128xi32, #tpu.memory_space<hbm>>
      %dma_start3A_16 = arith.constant 0 : i32
      %dma_start3A_17 = arith.constant 0 : i32
      %dma_start3A_18 = tpu.memref_slice %arg4[%add3A, %dma_start3A_16, %dma_start3A_17] : memref<32x79x128xi32, #tpu.memory_space<hbm>> -> memref<1x79x128xi32, #tpu.memory_space<hbm>>
      %dma_start3A_19 = tpu.memref_squeeze %dma_start3A_18 : memref<1x79x128xi32, #tpu.memory_space<hbm>> -> memref<79x128xi32, #tpu.memory_space<hbm>>
      tpu.enqueue_dma source(%dma_start3A_19 : memref<79x128xi32, #tpu.memory_space<hbm>>) target(%arg8 : memref<79x128xi32, #tpu.memory_space<vmem>>) target_semaphore(%run_scoped3A : memref<!tpu.dma_semaphore, #tpu.memory_space<semaphore_mem>>)
      %dma_wait3A = arith.constant 0 : i32
      %dma_wait3A_20 = arith.constant 0 : i32
      %dma_wait3A_21 = tpu.memref_slice %arg4[%add3A, %dma_wait3A, %dma_wait3A_20] : memref<32x79x128xi32, #tpu.memory_space<hbm>> -> memref<1x79x128xi32, #tpu.memory_space<hbm>>
      %dma_wait3A_22 = tpu.memref_squeeze %dma_wait3A_21 : memref<1x79x128xi32, #tpu.memory_space<hbm>> -> memref<79x128xi32, #tpu.memory_space<hbm>>
      %dma_wait3A_23 = arith.constant 0 : i32
      %dma_wait3A_24 = arith.constant 0 : i32
      %dma_wait3A_25 = tpu.memref_slice %arg4[%add3A, %dma_wait3A_23, %dma_wait3A_24] : memref<32x79x128xi32, #tpu.memory_space<hbm>> -> memref<1x79x128xi32, #tpu.memory_space<hbm>>
      %dma_wait3A_26 = tpu.memref_squeeze %dma_wait3A_25 : memref<1x79x128xi32, #tpu.memory_space<hbm>> -> memref<79x128xi32, #tpu.memory_space<hbm>>
      tpu.wait_dma2 semaphore(%run_scoped3A : memref<!tpu.dma_semaphore, #tpu.memory_space<semaphore_mem>>) src(%dma_wait3A_26 : memref<79x128xi32, #tpu.memory_space<hbm>>) dst(%arg8 : memref<79x128xi32, #tpu.memory_space<vmem>>)
      tpu.yield
    }) : () -> ()
    %mul3A_1 = arith.constant 640 : i32
    %mul3A_2 = arith.muli %arg1, %mul3A_1 : i32
    "tpu.region"() ({
      %run_scoped3A = tpu.sem_alloc : memref<!tpu.dma_semaphore, #tpu.memory_space<semaphore_mem>>
      %dma_start3A = arith.constant 0 : i32
      %dma_start3A_13 = tpu.memref_slice %arg10[%mul3A_2, %dma_start3A] : memref<10240x64xf32, #tpu.memory_space<vmem_shared>> -> memref<640x64xf32, #tpu.memory_space<vmem_shared>>
      tpu.enqueue_dma source(%arg5 : memref<640x64xf32, #tpu.memory_space<hbm>>) target(%dma_start3A_13 : memref<640x64xf32, #tpu.memory_space<vmem_shared>>) target_semaphore(%run_scoped3A : memref<!tpu.dma_semaphore, #tpu.memory_space<semaphore_mem>>)
      %dma_wait3A = arith.constant 0 : i32
      %dma_wait3A_14 = tpu.memref_slice %arg10[%mul3A_2, %dma_wait3A] : memref<10240x64xf32, #tpu.memory_space<vmem_shared>> -> memref<640x64xf32, #tpu.memory_space<vmem_shared>>
      tpu.wait_dma2 semaphore(%run_scoped3A : memref<!tpu.dma_semaphore, #tpu.memory_space<semaphore_mem>>) src(%arg5 : memref<640x64xf32, #tpu.memory_space<hbm>>) dst(%dma_wait3A_14 : memref<640x64xf32, #tpu.memory_space<vmem_shared>>)
      tpu.yield
    }) : () -> ()
    %barrier3A = arith.constant 0 : index
    tpu.barrier barrier_id(%barrier3A)
    %scan3A = arith.constant 0 : i32
    %scan3A_3 = arith.constant 0 : i32
    %scan3A_4 = arith.constant 79 : i32
    %scan3A_5 = arith.addi %scan3A_3, %scan3A_4 : i32
    %scan3A_6 = arith.constant 1 : i32
    scf.for %scan3A_13 = %scan3A_3 to %scan3A_5 step %scan3A_6  : i32 {
      %dma_start3A = arith.constant 0 : i32
      %dma_start3A_14 = tpu.memref_slice %arg7[%scan3A_13, %dma_start3A] : memref<79x128xi32, #tpu.memory_space<vmem>> -> memref<1x128xi32, #tpu.memory_space<vmem>>
      %dma_start3A_15 = tpu.memref_squeeze %dma_start3A_14 : memref<1x128xi32, #tpu.memory_space<vmem>> -> memref<128xi32, #tpu.memory_space<vmem>>
      %dma_start3A_16 = arith.constant 0 : i32
      %dma_start3A_17 = arith.constant 0 : i32
      %dma_start3A_18 = tpu.memref_slice %arg2[%dma_start3A_16, %dma_start3A_17] : memref<10000x64xf32, #tpu.memory_space<hbm>> -> memref<10000x64xf32, #tpu.memory_space<hbm>>
      tpu.enqueue_indirect_dma source(%dma_start3A_18 : memref<10000x64xf32, #tpu.memory_space<hbm>>) target(%arg9 : memref<128x64xf32, #tpu.memory_space<vmem>>) offsets(%dma_start3A_15 : memref<128xi32, #tpu.memory_space<vmem>>) semaphore(%arg11 : memref<!tpu.dma_semaphore, #tpu.memory_space<semaphore_mem>>)
      %dma_wait3A = arith.constant 0 : i32
      %dma_wait3A_19 = tpu.memref_slice %arg7[%scan3A_13, %dma_wait3A] : memref<79x128xi32, #tpu.memory_space<vmem>> -> memref<1x128xi32, #tpu.memory_space<vmem>>
      %dma_wait3A_20 = tpu.memref_squeeze %dma_wait3A_19 : memref<1x128xi32, #tpu.memory_space<vmem>> -> memref<128xi32, #tpu.memory_space<vmem>>
      %dma_wait3A_21 = arith.constant 0 : i32
      %dma_wait3A_22 = arith.constant 0 : i32
      %dma_wait3A_23 = tpu.memref_slice %arg2[%dma_wait3A_21, %dma_wait3A_22] : memref<10000x64xf32, #tpu.memory_space<hbm>> -> memref<10000x64xf32, #tpu.memory_space<hbm>>
      tpu.wait_indirect_dma semaphore(%arg11 : memref<!tpu.dma_semaphore, #tpu.memory_space<semaphore_mem>>) src(%dma_wait3A_23 : memref<10000x64xf32, #tpu.memory_space<hbm>>) dst(%arg9 : memref<128x64xf32, #tpu.memory_space<vmem>>)
      "tpu.region"() ({
        %run_scoped3A = tpu.sem_alloc : memref<!tpu.dma_semaphore, #tpu.memory_space<semaphore_mem>>
        %dma_start3A_24 = arith.constant 0 : i32
        %dma_start3A_25 = tpu.memref_slice %arg8[%scan3A_13, %dma_start3A_24] : memref<79x128xi32, #tpu.memory_space<vmem>> -> memref<1x128xi32, #tpu.memory_space<vmem>>
        %dma_start3A_26 = tpu.memref_squeeze %dma_start3A_25 : memref<1x128xi32, #tpu.memory_space<vmem>> -> memref<128xi32, #tpu.memory_space<vmem>>
        %dma_start3A_27 = arith.constant 0 : i32
        %dma_start3A_28 = arith.constant 0 : i32
        %dma_start3A_29 = tpu.memref_slice %arg10[%dma_start3A_27, %dma_start3A_28] : memref<10240x64xf32, #tpu.memory_space<vmem_shared>> -> memref<10240x64xf32, #tpu.memory_space<vmem_shared>>
        tpu.enqueue_indirect_dma source(%arg9 : memref<128x64xf32, #tpu.memory_space<vmem>>) target(%dma_start3A_29 : memref<10240x64xf32, #tpu.memory_space<vmem_shared>>) offsets(%dma_start3A_26 : memref<128xi32, #tpu.memory_space<vmem>>) semaphore(%run_scoped3A : memref<!tpu.dma_semaphore, #tpu.memory_space<semaphore_mem>>) {add = true}
        %dma_wait3A_30 = arith.constant 0 : i32
        %dma_wait3A_31 = tpu.memref_slice %arg8[%scan3A_13, %dma_wait3A_30] : memref<79x128xi32, #tpu.memory_space<vmem>> -> memref<1x128xi32, #tpu.memory_space<vmem>>
        %dma_wait3A_32 = tpu.memref_squeeze %dma_wait3A_31 : memref<1x128xi32, #tpu.memory_space<vmem>> -> memref<128xi32, #tpu.memory_space<vmem>>
        %dma_wait3A_33 = arith.constant 0 : i32
        %dma_wait3A_34 = arith.constant 0 : i32
        %dma_wait3A_35 = tpu.memref_slice %arg10[%dma_wait3A_33, %dma_wait3A_34] : memref<10240x64xf32, #tpu.memory_space<vmem_shared>> -> memref<10240x64xf32, #tpu.memory_space<vmem_shared>>
        tpu.wait_indirect_dma semaphore(%run_scoped3A : memref<!tpu.dma_semaphore, #tpu.memory_space<semaphore_mem>>) src(%arg9 : memref<128x64xf32, #tpu.memory_space<vmem>>) dst(%dma_wait3A_35 : memref<10240x64xf32, #tpu.memory_space<vmem_shared>>)
        tpu.yield
      }) : () -> ()
    }
    %scan3A_7 = arith.constant 79 : i32
    %barrier3A_8 = arith.constant 0 : index
    tpu.barrier barrier_id(%barrier3A_8)
    %mul3A_9 = arith.constant 640 : i32
    %mul3A_10 = arith.muli %arg1, %mul3A_9 : i32
    %mul3A_11 = arith.constant 640 : i32
    %mul3A_12 = arith.muli %arg1, %mul3A_11 : i32
    "tpu.region"() ({
      %run_scoped3A = tpu.sem_alloc : memref<!tpu.dma_semaphore, #tpu.memory_space<semaphore_mem>>
      %dma_start3A = arith.constant 0 : i32
      %dma_start3A_13 = arith.constant 0 : i32
      %dma_start3A_14 = tpu.memref_slice %arg6[%arg0, %dma_start3A, %dma_start3A_13] : memref<2x10240x64xf32, #tpu.memory_space<hbm>> -> memref<1x10240x64xf32, #tpu.memory_space<hbm>>
      %dma_start3A_15 = tpu.memref_squeeze %dma_start3A_14 : memref<1x10240x64xf32, #tpu.memory_space<hbm>> -> memref<10240x64xf32, #tpu.memory_space<hbm>>
      %dma_start3A_16 = arith.constant 0 : i32
      %dma_start3A_17 = tpu.memref_slice %dma_start3A_15[%mul3A_12, %dma_start3A_16] : memref<10240x64xf32, #tpu.memory_space<hbm>> -> memref<640x64xf32, #tpu.memory_space<hbm>>
      %dma_start3A_18 = arith.constant 0 : i32
      %dma_start3A_19 = tpu.memref_slice %arg10[%mul3A_10, %dma_start3A_18] : memref<10240x64xf32, #tpu.memory_space<vmem_shared>> -> memref<640x64xf32, #tpu.memory_space<vmem_shared>>
      tpu.enqueue_dma source(%dma_start3A_19 : memref<640x64xf32, #tpu.memory_space<vmem_shared>>) target(%dma_start3A_17 : memref<640x64xf32, #tpu.memory_space<hbm>>) target_semaphore(%run_scoped3A : memref<!tpu.dma_semaphore, #tpu.memory_space<semaphore_mem>>)
      %dma_wait3A = arith.constant 0 : i32
      %dma_wait3A_20 = arith.constant 0 : i32
      %dma_wait3A_21 = tpu.memref_slice %arg6[%arg0, %dma_wait3A, %dma_wait3A_20] : memref<2x10240x64xf32, #tpu.memory_space<hbm>> -> memref<1x10240x64xf32, #tpu.memory_space<hbm>>
      %dma_wait3A_22 = tpu.memref_squeeze %dma_wait3A_21 : memref<1x10240x64xf32, #tpu.memory_space<hbm>> -> memref<10240x64xf32, #tpu.memory_space<hbm>>
      %dma_wait3A_23 = arith.constant 0 : i32
      %dma_wait3A_24 = tpu.memref_slice %dma_wait3A_22[%mul3A_12, %dma_wait3A_23] : memref<10240x64xf32, #tpu.memory_space<hbm>> -> memref<640x64xf32, #tpu.memory_space<hbm>>
      %dma_wait3A_25 = arith.constant 0 : i32
      %dma_wait3A_26 = tpu.memref_slice %arg10[%mul3A_10, %dma_wait3A_25] : memref<10240x64xf32, #tpu.memory_space<vmem_shared>> -> memref<640x64xf32, #tpu.memory_space<vmem_shared>>
      tpu.wait_dma2 semaphore(%run_scoped3A : memref<!tpu.dma_semaphore, #tpu.memory_space<semaphore_mem>>) src(%dma_wait3A_26 : memref<640x64xf32, #tpu.memory_space<vmem_shared>>) dst(%dma_wait3A_24 : memref<640x64xf32, #tpu.memory_space<hbm>>)
      tpu.yield
    }) : () -> ()
    return
  }
}

#map = affine_map<(d0, d1) -> (0, 0)>
#map1 = affine_map<(d0, d1) -> (0, 0, 0)>
module attributes {stable_mosaic.version = 14 : i64} {
  func.func @seg_sum(%arg0: i32, %arg1: i32, %arg2: memref<10000x64xf32, #tpu.memory_space<hbm>>, %arg3: memref<32x79x128xi32, #tpu.memory_space<hbm>>, %arg4: memref<32x79x128xi32, #tpu.memory_space<hbm>>, %arg5: memref<640x64xf32, #tpu.memory_space<hbm>>, %arg6: memref<2x10240x64xf32, #tpu.memory_space<hbm>>, %arg7: memref<79x128xi32, #tpu.memory_space<vmem>>, %arg8: memref<79x128xi32, #tpu.memory_space<vmem>>, %arg9: memref<128x64xf32, #tpu.memory_space<vmem>>, %arg10: memref<10240x64xf32, #tpu.memory_space<vmem_shared>>, %arg11: memref<!tpu.dma_semaphore, #tpu.memory_space<semaphore_mem>>) attributes {dimension_semantics = [#tpu.dimension_semantics<core_parallel>, #tpu.dimension_semantics<subcore_parallel>], iteration_bounds = array<i64: 2, 16>, scalar_prefetch = 0 : i64, scratch_operands = 5 : i64, tpu.core_type = #tpu.core_type<sc_vector_subcore>, window_params = [{transform_indices = #map}, {transform_indices = #map1}, {transform_indices = #map1}, {transform_indices = #map}, {transform_indices = #map1}]} {
    %mul3A = arith.constant 2 : i32
    %mul3A_0 = arith.muli %arg1, %mul3A : i32
    %add3A = arith.addi %mul3A_0, %arg0 : i32
    "tpu.region"() ({
      %run_scoped3A = tpu.sem_alloc : memref<!tpu.dma_semaphore, #tpu.memory_space<semaphore_mem>>
      %dma_start3A = arith.constant 0 : i32
      %dma_start3A_13 = arith.constant 0 : i32
      %dma_start3A_14 = tpu.memref_slice %arg3[%add3A, %dma_start3A, %dma_start3A_13] : memref<32x79x128xi32, #tpu.memory_space<hbm>> -> memref<1x79x128xi32, #tpu.memory_space<hbm>>
      %dma_start3A_15 = tpu.memref_squeeze %dma_start3A_14 : memref<1x79x128xi32, #tpu.memory_space<hbm>> -> memref<79x128xi32, #tpu.memory_space<hbm>>
      %dma_start3A_16 = arith.constant 0 : i32
      %dma_start3A_17 = arith.constant 0 : i32
      %dma_start3A_18 = tpu.memref_slice %arg3[%add3A, %dma_start3A_16, %dma_start3A_17] : memref<32x79x128xi32, #tpu.memory_space<hbm>> -> memref<1x79x128xi32, #tpu.memory_space<hbm>>
      %dma_start3A_19 = tpu.memref_squeeze %dma_start3A_18 : memref<1x79x128xi32, #tpu.memory_space<hbm>> -> memref<79x128xi32, #tpu.memory_space<hbm>>
      tpu.enqueue_dma source(%dma_start3A_19 : memref<79x128xi32, #tpu.memory_space<hbm>>) target(%arg7 : memref<79x128xi32, #tpu.memory_space<vmem>>) target_semaphore(%run_scoped3A : memref<!tpu.dma_semaphore, #tpu.memory_space<semaphore_mem>>)
      %dma_wait3A = arith.constant 0 : i32
      %dma_wait3A_20 = arith.constant 0 : i32
      %dma_wait3A_21 = tpu.memref_slice %arg3[%add3A, %dma_wait3A, %dma_wait3A_20] : memref<32x79x128xi32, #tpu.memory_space<hbm>> -> memref<1x79x128xi32, #tpu.memory_space<hbm>>
      %dma_wait3A_22 = tpu.memref_squeeze %dma_wait3A_21 : memref<1x79x128xi32, #tpu.memory_space<hbm>> -> memref<79x128xi32, #tpu.memory_space<hbm>>
      %dma_wait3A_23 = arith.constant 0 : i32
      %dma_wait3A_24 = arith.constant 0 : i32
      %dma_wait3A_25 = tpu.memref_slice %arg3[%add3A, %dma_wait3A_23, %dma_wait3A_24] : memref<32x79x128xi32, #tpu.memory_space<hbm>> -> memref<1x79x128xi32, #tpu.memory_space<hbm>>
      %dma_wait3A_26 = tpu.memref_squeeze %dma_wait3A_25 : memref<1x79x128xi32, #tpu.memory_space<hbm>> -> memref<79x128xi32, #tpu.memory_space<hbm>>
      tpu.wait_dma2 semaphore(%run_scoped3A : memref<!tpu.dma_semaphore, #tpu.memory_space<semaphore_mem>>) src(%dma_wait3A_26 : memref<79x128xi32, #tpu.memory_space<hbm>>) dst(%arg7 : memref<79x128xi32, #tpu.memory_space<vmem>>)
      tpu.yield
    }) : () -> ()
    "tpu.region"() ({
      %run_scoped3A = tpu.sem_alloc : memref<!tpu.dma_semaphore, #tpu.memory_space<semaphore_mem>>
      %dma_start3A = arith.constant 0 : i32
      %dma_start3A_13 = arith.constant 0 : i32
      %dma_start3A_14 = tpu.memref_slice %arg4[%add3A, %dma_start3A, %dma_start3A_13] : memref<32x79x128xi32, #tpu.memory_space<hbm>> -> memref<1x79x128xi32, #tpu.memory_space<hbm>>
      %dma_start3A_15 = tpu.memref_squeeze %dma_start3A_14 : memref<1x79x128xi32, #tpu.memory_space<hbm>> -> memref<79x128xi32, #tpu.memory_space<hbm>>
      %dma_start3A_16 = arith.constant 0 : i32
      %dma_start3A_17 = arith.constant 0 : i32
      %dma_start3A_18 = tpu.memref_slice %arg4[%add3A, %dma_start3A_16, %dma_start3A_17] : memref<32x79x128xi32, #tpu.memory_space<hbm>> -> memref<1x79x128xi32, #tpu.memory_space<hbm>>
      %dma_start3A_19 = tpu.memref_squeeze %dma_start3A_18 : memref<1x79x128xi32, #tpu.memory_space<hbm>> -> memref<79x128xi32, #tpu.memory_space<hbm>>
      tpu.enqueue_dma source(%dma_start3A_19 : memref<79x128xi32, #tpu.memory_space<hbm>>) target(%arg8 : memref<79x128xi32, #tpu.memory_space<vmem>>) target_semaphore(%run_scoped3A : memref<!tpu.dma_semaphore, #tpu.memory_space<semaphore_mem>>)
      %dma_wait3A = arith.constant 0 : i32
      %dma_wait3A_20 = arith.constant 0 : i32
      %dma_wait3A_21 = tpu.memref_slice %arg4[%add3A, %dma_wait3A, %dma_wait3A_20] : memref<32x79x128xi32, #tpu.memory_space<hbm>> -> memref<1x79x128xi32, #tpu.memory_space<hbm>>
      %dma_wait3A_22 = tpu.memref_squeeze %dma_wait3A_21 : memref<1x79x128xi32, #tpu.memory_space<hbm>> -> memref<79x128xi32, #tpu.memory_space<hbm>>
      %dma_wait3A_23 = arith.constant 0 : i32
      %dma_wait3A_24 = arith.constant 0 : i32
      %dma_wait3A_25 = tpu.memref_slice %arg4[%add3A, %dma_wait3A_23, %dma_wait3A_24] : memref<32x79x128xi32, #tpu.memory_space<hbm>> -> memref<1x79x128xi32, #tpu.memory_space<hbm>>
      %dma_wait3A_26 = tpu.memref_squeeze %dma_wait3A_25 : memref<1x79x128xi32, #tpu.memory_space<hbm>> -> memref<79x128xi32, #tpu.memory_space<hbm>>
      tpu.wait_dma2 semaphore(%run_scoped3A : memref<!tpu.dma_semaphore, #tpu.memory_space<semaphore_mem>>) src(%dma_wait3A_26 : memref<79x128xi32, #tpu.memory_space<hbm>>) dst(%arg8 : memref<79x128xi32, #tpu.memory_space<vmem>>)
      tpu.yield
    }) : () -> ()
    %mul3A_1 = arith.constant 640 : i32
    %mul3A_2 = arith.muli %arg1, %mul3A_1 : i32
    "tpu.region"() ({
      %run_scoped3A = tpu.sem_alloc : memref<!tpu.dma_semaphore, #tpu.memory_space<semaphore_mem>>
      %dma_start3A = arith.constant 0 : i32
      %dma_start3A_13 = tpu.memref_slice %arg10[%mul3A_2, %dma_start3A] : memref<10240x64xf32, #tpu.memory_space<vmem_shared>> -> memref<640x64xf32, #tpu.memory_space<vmem_shared>>
      tpu.enqueue_dma source(%arg5 : memref<640x64xf32, #tpu.memory_space<hbm>>) target(%dma_start3A_13 : memref<640x64xf32, #tpu.memory_space<vmem_shared>>) target_semaphore(%run_scoped3A : memref<!tpu.dma_semaphore, #tpu.memory_space<semaphore_mem>>)
      %dma_wait3A = arith.constant 0 : i32
      %dma_wait3A_14 = tpu.memref_slice %arg10[%mul3A_2, %dma_wait3A] : memref<10240x64xf32, #tpu.memory_space<vmem_shared>> -> memref<640x64xf32, #tpu.memory_space<vmem_shared>>
      tpu.wait_dma2 semaphore(%run_scoped3A : memref<!tpu.dma_semaphore, #tpu.memory_space<semaphore_mem>>) src(%arg5 : memref<640x64xf32, #tpu.memory_space<hbm>>) dst(%dma_wait3A_14 : memref<640x64xf32, #tpu.memory_space<vmem_shared>>)
      tpu.yield
    }) : () -> ()
    %barrier3A = arith.constant 0 : index
    tpu.barrier barrier_id(%barrier3A)
    %scan3A = arith.constant 0 : i32
    %scan3A_3 = arith.constant 0 : i32
    %scan3A_4 = arith.constant 79 : i32
    %scan3A_5 = arith.addi %scan3A_3, %scan3A_4 : i32
    %scan3A_6 = arith.constant 1 : i32
    scf.for %scan3A_13 = %scan3A_3 to %scan3A_5 step %scan3A_6  : i32 {
      %dma_start3A = arith.constant 0 : i32
      %dma_start3A_14 = tpu.memref_slice %arg7[%scan3A_13, %dma_start3A] : memref<79x128xi32, #tpu.memory_space<vmem>> -> memref<1x128xi32, #tpu.memory_space<vmem>>
      %dma_start3A_15 = tpu.memref_squeeze %dma_start3A_14 : memref<1x128xi32, #tpu.memory_space<vmem>> -> memref<128xi32, #tpu.memory_space<vmem>>
      %dma_start3A_16 = arith.constant 0 : i32
      %dma_start3A_17 = arith.constant 0 : i32
      %dma_start3A_18 = tpu.memref_slice %arg2[%dma_start3A_16, %dma_start3A_17] : memref<10000x64xf32, #tpu.memory_space<hbm>> -> memref<10000x64xf32, #tpu.memory_space<hbm>>
      tpu.enqueue_indirect_dma source(%dma_start3A_18 : memref<10000x64xf32, #tpu.memory_space<hbm>>) target(%arg9 : memref<128x64xf32, #tpu.memory_space<vmem>>) offsets(%dma_start3A_15 : memref<128xi32, #tpu.memory_space<vmem>>) semaphore(%arg11 : memref<!tpu.dma_semaphore, #tpu.memory_space<semaphore_mem>>)
      %dma_wait3A = arith.constant 0 : i32
      %dma_wait3A_19 = tpu.memref_slice %arg7[%scan3A_13, %dma_wait3A] : memref<79x128xi32, #tpu.memory_space<vmem>> -> memref<1x128xi32, #tpu.memory_space<vmem>>
      %dma_wait3A_20 = tpu.memref_squeeze %dma_wait3A_19 : memref<1x128xi32, #tpu.memory_space<vmem>> -> memref<128xi32, #tpu.memory_space<vmem>>
      %dma_wait3A_21 = arith.constant 0 : i32
      %dma_wait3A_22 = arith.constant 0 : i32
      %dma_wait3A_23 = tpu.memref_slice %arg2[%dma_wait3A_21, %dma_wait3A_22] : memref<10000x64xf32, #tpu.memory_space<hbm>> -> memref<10000x64xf32, #tpu.memory_space<hbm>>
      tpu.wait_indirect_dma semaphore(%arg11 : memref<!tpu.dma_semaphore, #tpu.memory_space<semaphore_mem>>) src(%dma_wait3A_23 : memref<10000x64xf32, #tpu.memory_space<hbm>>) dst(%arg9 : memref<128x64xf32, #tpu.memory_space<vmem>>)
      "tpu.region"() ({
        %run_scoped3A = tpu.sem_alloc : memref<!tpu.dma_semaphore, #tpu.memory_space<semaphore_mem>>
        %dma_start3A_24 = arith.constant 0 : i32
        %dma_start3A_25 = tpu.memref_slice %arg8[%scan3A_13, %dma_start3A_24] : memref<79x128xi32, #tpu.memory_space<vmem>> -> memref<1x128xi32, #tpu.memory_space<vmem>>
        %dma_start3A_26 = tpu.memref_squeeze %dma_start3A_25 : memref<1x128xi32, #tpu.memory_space<vmem>> -> memref<128xi32, #tpu.memory_space<vmem>>
        %dma_start3A_27 = arith.constant 0 : i32
        %dma_start3A_28 = arith.constant 0 : i32
        %dma_start3A_29 = tpu.memref_slice %arg10[%dma_start3A_27, %dma_start3A_28] : memref<10240x64xf32, #tpu.memory_space<vmem_shared>> -> memref<10240x64xf32, #tpu.memory_space<vmem_shared>>
        tpu.enqueue_indirect_dma source(%arg9 : memref<128x64xf32, #tpu.memory_space<vmem>>) target(%dma_start3A_29 : memref<10240x64xf32, #tpu.memory_space<vmem_shared>>) offsets(%dma_start3A_26 : memref<128xi32, #tpu.memory_space<vmem>>) semaphore(%run_scoped3A : memref<!tpu.dma_semaphore, #tpu.memory_space<semaphore_mem>>) {add = true}
        %dma_wait3A_30 = arith.constant 0 : i32
        %dma_wait3A_31 = tpu.memref_slice %arg8[%scan3A_13, %dma_wait3A_30] : memref<79x128xi32, #tpu.memory_space<vmem>> -> memref<1x128xi32, #tpu.memory_space<vmem>>
        %dma_wait3A_32 = tpu.memref_squeeze %dma_wait3A_31 : memref<1x128xi32, #tpu.memory_space<vmem>> -> memref<128xi32, #tpu.memory_space<vmem>>
        %dma_wait3A_33 = arith.constant 0 : i32
        %dma_wait3A_34 = arith.constant 0 : i32
        %dma_wait3A_35 = tpu.memref_slice %arg10[%dma_wait3A_33, %dma_wait3A_34] : memref<10240x64xf32, #tpu.memory_space<vmem_shared>> -> memref<10240x64xf32, #tpu.memory_space<vmem_shared>>
        tpu.wait_indirect_dma semaphore(%run_scoped3A : memref<!tpu.dma_semaphore, #tpu.memory_space<semaphore_mem>>) src(%arg9 : memref<128x64xf32, #tpu.memory_space<vmem>>) dst(%dma_wait3A_35 : memref<10240x64xf32, #tpu.memory_space<vmem_shared>>)
        tpu.yield
      }) : () -> ()
    }
    %scan3A_7 = arith.constant 79 : i32
    %barrier3A_8 = arith.constant 0 : index
    tpu.barrier barrier_id(%barrier3A_8)
    %mul3A_9 = arith.constant 640 : i32
    %mul3A_10 = arith.muli %arg1, %mul3A_9 : i32
    %mul3A_11 = arith.constant 640 : i32
    %mul3A_12 = arith.muli %arg1, %mul3A_11 : i32
    "tpu.region"() ({
      %run_scoped3A = tpu.sem_alloc : memref<!tpu.dma_semaphore, #tpu.memory_space<semaphore_mem>>
      %dma_start3A = arith.constant 0 : i32
      %dma_start3A_13 = arith.constant 0 : i32
      %dma_start3A_14 = tpu.memref_slice %arg6[%arg0, %dma_start3A, %dma_start3A_13] : memref<2x10240x64xf32, #tpu.memory_space<hbm>> -> memref<1x10240x64xf32, #tpu.memory_space<hbm>>
      %dma_start3A_15 = tpu.memref_squeeze %dma_start3A_14 : memref<1x10240x64xf32, #tpu.memory_space<hbm>> -> memref<10240x64xf32, #tpu.memory_space<hbm>>
      %dma_start3A_16 = arith.constant 0 : i32
      %dma_start3A_17 = tpu.memref_slice %dma_start3A_15[%mul3A_12, %dma_start3A_16] : memref<10240x64xf32, #tpu.memory_space<hbm>> -> memref<640x64xf32, #tpu.memory_space<hbm>>
      %dma_start3A_18 = arith.constant 0 : i32
      %dma_start3A_19 = tpu.memref_slice %arg10[%mul3A_10, %dma_start3A_18] : memref<10240x64xf32, #tpu.memory_space<vmem_shared>> -> memref<640x64xf32, #tpu.memory_space<vmem_shared>>
      tpu.enqueue_dma source(%dma_start3A_19 : memref<640x64xf32, #tpu.memory_space<vmem_shared>>) target(%dma_start3A_17 : memref<640x64xf32, #tpu.memory_space<hbm>>) target_semaphore(%run_scoped3A : memref<!tpu.dma_semaphore, #tpu.memory_space<semaphore_mem>>)
      %dma_wait3A = arith.constant 0 : i32
      %dma_wait3A_20 = arith.constant 0 : i32
      %dma_wait3A_21 = tpu.memref_slice %arg6[%arg0, %dma_wait3A, %dma_wait3A_20] : memref<2x10240x64xf32, #tpu.memory_space<hbm>> -> memref<1x10240x64xf32, #tpu.memory_space<hbm>>
      %dma_wait3A_22 = tpu.memref_squeeze %dma_wait3A_21 : memref<1x10240x64xf32, #tpu.memory_space<hbm>> -> memref<10240x64xf32, #tpu.memory_space<hbm>>
      %dma_wait3A_23 = arith.constant 0 : i32
      %dma_wait3A_24 = tpu.memref_slice %dma_wait3A_22[%mul3A_12, %dma_wait3A_23] : memref<10240x64xf32, #tpu.memory_space<hbm>> -> memref<640x64xf32, #tpu.memory_space<hbm>>
      %dma_wait3A_25 = arith.constant 0 : i32
      %dma_wait3A_26 = tpu.memref_slice %arg10[%mul3A_10, %dma_wait3A_25] : memref<10240x64xf32, #tpu.memory_space<vmem_shared>> -> memref<640x64xf32, #tpu.memory_space<vmem_shared>>
      tpu.wait_dma2 semaphore(%run_scoped3A : memref<!tpu.dma_semaphore, #tpu.memory_space<semaphore_mem>>) src(%dma_wait3A_26 : memref<640x64xf32, #tpu.memory_space<vmem_shared>>) dst(%dma_wait3A_24 : memref<640x64xf32, #tpu.memory_space<hbm>>)
      tpu.yield
    }) : () -> ()
    return
  }
}

module attributes {stable_mosaic.version = 14 : i64} {
  func.func @_tc_layer_body(%arg0: memref<10000x128xf32, #tpu.memory_space<vmem>>, %arg1: memref<2x10240x128xf32, #tpu.memory_space<vmem>>, %arg2: memref<128x64xf32, #tpu.memory_space<vmem>>, %arg3: memref<1x64xf32, #tpu.memory_space<vmem>>, %arg4: memref<1x64xf32, #tpu.memory_space<vmem>>, %arg5: memref<1x64xf32, #tpu.memory_space<vmem>>, %arg6: memref<64x64xf32, #tpu.memory_space<vmem>>, %arg7: memref<1x64xf32, #tpu.memory_space<vmem>>, %arg8: memref<1x64xf32, #tpu.memory_space<vmem>>, %arg9: memref<1x64xf32, #tpu.memory_space<vmem>>, %arg10: memref<64x64xf32, #tpu.memory_space<vmem>>, %arg11: memref<1x64xf32, #tpu.memory_space<vmem>>, %arg12: memref<1x64xf32, #tpu.memory_space<vmem>>, %arg13: memref<1x64xf32, #tpu.memory_space<vmem>>, %arg14: memref<10000x64xf32, #tpu.memory_space<vmem>>) attributes {dimension_semantics = [], scalar_prefetch = 0 : i64, scratch_operands = 0 : i64, tpu.core_type = #tpu.core_type<tc>} {
    %get3A = arith.constant 0 : index
    %get3A_0 = arith.constant 0 : index
    %get3A_1 = vector.load %arg0[%get3A, %get3A_0] : memref<10000x128xf32, #tpu.memory_space<vmem>>, vector<10000x128xf32>
    %get3A_2 = arith.constant 0 : index
    %get3A_3 = arith.constant 0 : index
    %get3A_4 = arith.constant 0 : index
    %get3A_5 = vector.load %arg1[%get3A_2, %get3A_3, %get3A_4] : memref<2x10240x128xf32, #tpu.memory_space<vmem>>, vector<1x10000x128xf32>
    %get3A_6 = vector.shape_cast %get3A_5 : vector<1x10000x128xf32> to vector<10000x128xf32>
    %add3A = arith.addf %get3A_1, %get3A_6 : vector<10000x128xf32>
    %get3A_7 = arith.constant 1 : index
    %get3A_8 = arith.constant 0 : index
    %get3A_9 = arith.constant 0 : index
    %get3A_10 = vector.load %arg1[%get3A_7, %get3A_8, %get3A_9] : memref<2x10240x128xf32, #tpu.memory_space<vmem>>, vector<1x10000x128xf32>
    %get3A_11 = vector.shape_cast %get3A_10 : vector<1x10000x128xf32> to vector<10000x128xf32>
    %add3A_12 = arith.addf %add3A, %get3A_11 : vector<10000x128xf32>
    %get3A_13 = arith.constant 0 : index
    %get3A_14 = arith.constant 0 : index
    %get3A_15 = vector.load %arg2[%get3A_13, %get3A_14] : memref<128x64xf32, #tpu.memory_space<vmem>>, vector<128x64xf32>
    %dot_general3A = arith.constant dense<0.000000e+00> : vector<10000x64xf32>
    %dot_general3A_16 = tpu.matmul %add3A_12, %get3A_15, %dot_general3A {dimension_numbers = #tpu.dot_dimension_numbers<[1], [0], [0], [1], [0, 0, 1, 1], [], []>, transpose_lhs_hint = false} : vector<10000x128xf32>, vector<128x64xf32>, vector<10000x64xf32> -> vector<10000x64xf32>
    %get3A_17 = arith.constant 0 : index
    %get3A_18 = arith.constant 0 : index
    %get3A_19 = vector.load %arg3[%get3A_17, %get3A_18] : memref<1x64xf32, #tpu.memory_space<vmem>>, vector<1x64xf32>
    %add3A_20 = vector.broadcast %get3A_19 : vector<1x64xf32> to vector<10000x64xf32>
    %add3A_21 = arith.addf %dot_general3A_16, %add3A_20 : vector<10000x64xf32>
    %get3A_22 = arith.constant 0 : index
    %get3A_23 = arith.constant 0 : index
    %get3A_24 = vector.load %arg4[%get3A_22, %get3A_23] : memref<1x64xf32, #tpu.memory_space<vmem>>, vector<1x64xf32>
    %get3A_25 = arith.constant 0 : index
    %get3A_26 = arith.constant 0 : index
    %get3A_27 = vector.load %arg5[%get3A_25, %get3A_26] : memref<1x64xf32, #tpu.memory_space<vmem>>, vector<1x64xf32>
    %reduce_sum3A = arith.constant dense<0.000000e+00> : vector<64xf32>
    %reduce_sum3A_28 = vector.multi_reduction <add>, %add3A_21, %reduce_sum3A [0] : vector<10000x64xf32> to vector<64xf32>
    %div3A = arith.constant 1.000000e+04 : f32
    %div3A_29 = vector.broadcast %div3A : f32 to vector<64xf32>
    %div3A_30 = arith.divf %reduce_sum3A_28, %div3A_29 : vector<64xf32>
    %jit3A = arith.constant 0 : i32
    %reduce_sum3A_31 = arith.constant dense<0.000000e+00> : vector<64xf32>
    %reduce_sum3A_32 = vector.multi_reduction <add>, %add3A_21, %reduce_sum3A_31 [0] : vector<10000x64xf32> to vector<64xf32>
    %broadcast_in_dim3A = vector.shape_cast %reduce_sum3A_32 : vector<64xf32> to vector<1x64xf32>
    %div3A_33 = arith.constant 1.000000e+04 : f32
    %div3A_34 = vector.broadcast %div3A_33 : f32 to vector<1x64xf32>
    %div3A_35 = arith.divf %broadcast_in_dim3A, %div3A_34 : vector<1x64xf32>
    %sub3A = vector.broadcast %div3A_35 : vector<1x64xf32> to vector<10000x64xf32>
    %sub3A_36 = arith.subf %add3A_21, %sub3A : vector<10000x64xf32>
    %square3A = arith.mulf %sub3A_36, %sub3A_36 : vector<10000x64xf32>
    %convert_element_type3A = arith.sitofp %jit3A : i32 to f32
    %sub3A_37 = arith.constant 1.000000e+04 : f32
    %sub3A_38 = arith.subf %sub3A_37, %convert_element_type3A : f32
    %reduce_sum3A_39 = arith.constant dense<0.000000e+00> : vector<64xf32>
    %reduce_sum3A_40 = vector.multi_reduction <add>, %square3A, %reduce_sum3A_39 [0] : vector<10000x64xf32> to vector<64xf32>
    %div3A_41 = vector.broadcast %sub3A_38 : f32 to vector<64xf32>
    %div3A_42 = arith.divf %reduce_sum3A_40, %div3A_41 : vector<64xf32>
    %gt3A = arith.constant 0.000000e+00 : f32
    %gt3A_43 = arith.cmpf ogt, %sub3A_38, %gt3A : f32
    %jit3A_44 = arith.constant 0x7FC00000 : f32
    %broadcast_in_dim3A_45 = vector.broadcast %jit3A_44 : f32 to vector<64xf32>
    %select_n3A = arith.select %gt3A_43, %div3A_42, %broadcast_in_dim3A_45 : vector<64xf32>
    %broadcast_in_dim3A_46 = vector.shape_cast %div3A_30 : vector<64xf32> to vector<1x64xf32>
    %sub3A_47 = vector.broadcast %broadcast_in_dim3A_46 : vector<1x64xf32> to vector<10000x64xf32>
    %sub3A_48 = arith.subf %add3A_21, %sub3A_47 : vector<10000x64xf32>
    %mul3A = vector.broadcast %get3A_24 : vector<1x64xf32> to vector<10000x64xf32>
    %mul3A_49 = arith.mulf %mul3A, %sub3A_48 : vector<10000x64xf32>
    %add3A_50 = arith.constant 9.99999974E-6 : f32
    %add3A_51 = vector.broadcast %add3A_50 : f32 to vector<64xf32>
    %add3A_52 = arith.addf %select_n3A, %add3A_51 : vector<64xf32>
    %sqrt3A = math.sqrt %add3A_52 : vector<64xf32>
    %broadcast_in_dim3A_53 = vector.shape_cast %sqrt3A : vector<64xf32> to vector<1x64xf32>
    %div3A_54 = vector.broadcast %broadcast_in_dim3A_53 : vector<1x64xf32> to vector<10000x64xf32>
    %div3A_55 = arith.divf %mul3A_49, %div3A_54 : vector<10000x64xf32>
    %add3A_56 = vector.broadcast %get3A_27 : vector<1x64xf32> to vector<10000x64xf32>
    %add3A_57 = arith.addf %div3A_55, %add3A_56 : vector<10000x64xf32>
    %max3A = arith.constant 0.000000e+00 : f32
    %max3A_58 = vector.broadcast %max3A : f32 to vector<10000x64xf32>
    %max3A_59 = arith.maximumf %add3A_57, %max3A_58 : vector<10000x64xf32>
    %get3A_60 = arith.constant 0 : index
    %get3A_61 = arith.constant 0 : index
    %get3A_62 = vector.load %arg6[%get3A_60, %get3A_61] : memref<64x64xf32, #tpu.memory_space<vmem>>, vector<64x64xf32>
    %dot_general3A_63 = arith.constant dense<0.000000e+00> : vector<10000x64xf32>
    %dot_general3A_64 = tpu.matmul %max3A_59, %get3A_62, %dot_general3A_63 {dimension_numbers = #tpu.dot_dimension_numbers<[1], [0], [0], [1], [0, 0, 1, 1], [], []>, transpose_lhs_hint = false} : vector<10000x64xf32>, vector<64x64xf32>, vector<10000x64xf32> -> vector<10000x64xf32>
    %get3A_65 = arith.constant 0 : index
    %get3A_66 = arith.constant 0 : index
    %get3A_67 = vector.load %arg7[%get3A_65, %get3A_66] : memref<1x64xf32, #tpu.memory_space<vmem>>, vector<1x64xf32>
    %add3A_68 = vector.broadcast %get3A_67 : vector<1x64xf32> to vector<10000x64xf32>
    %add3A_69 = arith.addf %dot_general3A_64, %add3A_68 : vector<10000x64xf32>
    %get3A_70 = arith.constant 0 : index
    %get3A_71 = arith.constant 0 : index
    %get3A_72 = vector.load %arg8[%get3A_70, %get3A_71] : memref<1x64xf32, #tpu.memory_space<vmem>>, vector<1x64xf32>
    %get3A_73 = arith.constant 0 : index
    %get3A_74 = arith.constant 0 : index
    %get3A_75 = vector.load %arg9[%get3A_73, %get3A_74] : memref<1x64xf32, #tpu.memory_space<vmem>>, vector<1x64xf32>
    %reduce_sum3A_76 = arith.constant dense<0.000000e+00> : vector<64xf32>
    %reduce_sum3A_77 = vector.multi_reduction <add>, %add3A_69, %reduce_sum3A_76 [0] : vector<10000x64xf32> to vector<64xf32>
    %div3A_78 = arith.constant 1.000000e+04 : f32
    %div3A_79 = vector.broadcast %div3A_78 : f32 to vector<64xf32>
    %div3A_80 = arith.divf %reduce_sum3A_77, %div3A_79 : vector<64xf32>
    %jit3A_81 = arith.constant 0 : i32
    %reduce_sum3A_82 = arith.constant dense<0.000000e+00> : vector<64xf32>
    %reduce_sum3A_83 = vector.multi_reduction <add>, %add3A_69, %reduce_sum3A_82 [0] : vector<10000x64xf32> to vector<64xf32>
    %broadcast_in_dim3A_84 = vector.shape_cast %reduce_sum3A_83 : vector<64xf32> to vector<1x64xf32>
    %div3A_85 = arith.constant 1.000000e+04 : f32
    %div3A_86 = vector.broadcast %div3A_85 : f32 to vector<1x64xf32>
    %div3A_87 = arith.divf %broadcast_in_dim3A_84, %div3A_86 : vector<1x64xf32>
    %sub3A_88 = vector.broadcast %div3A_87 : vector<1x64xf32> to vector<10000x64xf32>
    %sub3A_89 = arith.subf %add3A_69, %sub3A_88 : vector<10000x64xf32>
    %square3A_90 = arith.mulf %sub3A_89, %sub3A_89 : vector<10000x64xf32>
    %convert_element_type3A_91 = arith.sitofp %jit3A_81 : i32 to f32
    %sub3A_92 = arith.constant 1.000000e+04 : f32
    %sub3A_93 = arith.subf %sub3A_92, %convert_element_type3A_91 : f32
    %reduce_sum3A_94 = arith.constant dense<0.000000e+00> : vector<64xf32>
    %reduce_sum3A_95 = vector.multi_reduction <add>, %square3A_90, %reduce_sum3A_94 [0] : vector<10000x64xf32> to vector<64xf32>
    %div3A_96 = vector.broadcast %sub3A_93 : f32 to vector<64xf32>
    %div3A_97 = arith.divf %reduce_sum3A_95, %div3A_96 : vector<64xf32>
    %gt3A_98 = arith.constant 0.000000e+00 : f32
    %gt3A_99 = arith.cmpf ogt, %sub3A_93, %gt3A_98 : f32
    %jit3A_100 = arith.constant 0x7FC00000 : f32
    %broadcast_in_dim3A_101 = vector.broadcast %jit3A_100 : f32 to vector<64xf32>
    %select_n3A_102 = arith.select %gt3A_99, %div3A_97, %broadcast_in_dim3A_101 : vector<64xf32>
    %broadcast_in_dim3A_103 = vector.shape_cast %div3A_80 : vector<64xf32> to vector<1x64xf32>
    %sub3A_104 = vector.broadcast %broadcast_in_dim3A_103 : vector<1x64xf32> to vector<10000x64xf32>
    %sub3A_105 = arith.subf %add3A_69, %sub3A_104 : vector<10000x64xf32>
    %mul3A_106 = vector.broadcast %get3A_72 : vector<1x64xf32> to vector<10000x64xf32>
    %mul3A_107 = arith.mulf %mul3A_106, %sub3A_105 : vector<10000x64xf32>
    %add3A_108 = arith.constant 9.99999974E-6 : f32
    %add3A_109 = vector.broadcast %add3A_108 : f32 to vector<64xf32>
    %add3A_110 = arith.addf %select_n3A_102, %add3A_109 : vector<64xf32>
    %sqrt3A_111 = math.sqrt %add3A_110 : vector<64xf32>
    %broadcast_in_dim3A_112 = vector.shape_cast %sqrt3A_111 : vector<64xf32> to vector<1x64xf32>
    %div3A_113 = vector.broadcast %broadcast_in_dim3A_112 : vector<1x64xf32> to vector<10000x64xf32>
    %div3A_114 = arith.divf %mul3A_107, %div3A_113 : vector<10000x64xf32>
    %add3A_115 = vector.broadcast %get3A_75 : vector<1x64xf32> to vector<10000x64xf32>
    %add3A_116 = arith.addf %div3A_114, %add3A_115 : vector<10000x64xf32>
    %max3A_117 = arith.constant 0.000000e+00 : f32
    %max3A_118 = vector.broadcast %max3A_117 : f32 to vector<10000x64xf32>
    %max3A_119 = arith.maximumf %add3A_116, %max3A_118 : vector<10000x64xf32>
    %get3A_120 = arith.constant 0 : index
    %get3A_121 = arith.constant 0 : index
    %get3A_122 = vector.load %arg10[%get3A_120, %get3A_121] : memref<64x64xf32, #tpu.memory_space<vmem>>, vector<64x64xf32>
    %dot_general3A_123 = arith.constant dense<0.000000e+00> : vector<10000x64xf32>
    %dot_general3A_124 = tpu.matmul %max3A_119, %get3A_122, %dot_general3A_123 {dimension_numbers = #tpu.dot_dimension_numbers<[1], [0], [0], [1], [0, 0, 1, 1], [], []>, transpose_lhs_hint = false} : vector<10000x64xf32>, vector<64x64xf32>, vector<10000x64xf32> -> vector<10000x64xf32>
    %get3A_125 = arith.constant 0 : index
    %get3A_126 = arith.constant 0 : index
    %get3A_127 = vector.load %arg11[%get3A_125, %get3A_126] : memref<1x64xf32, #tpu.memory_space<vmem>>, vector<1x64xf32>
    %add3A_128 = vector.broadcast %get3A_127 : vector<1x64xf32> to vector<10000x64xf32>
    %add3A_129 = arith.addf %dot_general3A_124, %add3A_128 : vector<10000x64xf32>
    %get3A_130 = arith.constant 0 : index
    %get3A_131 = arith.constant 0 : index
    %get3A_132 = vector.load %arg12[%get3A_130, %get3A_131] : memref<1x64xf32, #tpu.memory_space<vmem>>, vector<1x64xf32>
    %get3A_133 = arith.constant 0 : index
    %get3A_134 = arith.constant 0 : index
    %get3A_135 = vector.load %arg13[%get3A_133, %get3A_134] : memref<1x64xf32, #tpu.memory_space<vmem>>, vector<1x64xf32>
    %reduce_sum3A_136 = arith.constant dense<0.000000e+00> : vector<64xf32>
    %reduce_sum3A_137 = vector.multi_reduction <add>, %add3A_129, %reduce_sum3A_136 [0] : vector<10000x64xf32> to vector<64xf32>
    %div3A_138 = arith.constant 1.000000e+04 : f32
    %div3A_139 = vector.broadcast %div3A_138 : f32 to vector<64xf32>
    %div3A_140 = arith.divf %reduce_sum3A_137, %div3A_139 : vector<64xf32>
    %jit3A_141 = arith.constant 0 : i32
    %reduce_sum3A_142 = arith.constant dense<0.000000e+00> : vector<64xf32>
    %reduce_sum3A_143 = vector.multi_reduction <add>, %add3A_129, %reduce_sum3A_142 [0] : vector<10000x64xf32> to vector<64xf32>
    %broadcast_in_dim3A_144 = vector.shape_cast %reduce_sum3A_143 : vector<64xf32> to vector<1x64xf32>
    %div3A_145 = arith.constant 1.000000e+04 : f32
    %div3A_146 = vector.broadcast %div3A_145 : f32 to vector<1x64xf32>
    %div3A_147 = arith.divf %broadcast_in_dim3A_144, %div3A_146 : vector<1x64xf32>
    %sub3A_148 = vector.broadcast %div3A_147 : vector<1x64xf32> to vector<10000x64xf32>
    %sub3A_149 = arith.subf %add3A_129, %sub3A_148 : vector<10000x64xf32>
    %square3A_150 = arith.mulf %sub3A_149, %sub3A_149 : vector<10000x64xf32>
    %convert_element_type3A_151 = arith.sitofp %jit3A_141 : i32 to f32
    %sub3A_152 = arith.constant 1.000000e+04 : f32
    %sub3A_153 = arith.subf %sub3A_152, %convert_element_type3A_151 : f32
    %reduce_sum3A_154 = arith.constant dense<0.000000e+00> : vector<64xf32>
    %reduce_sum3A_155 = vector.multi_reduction <add>, %square3A_150, %reduce_sum3A_154 [0] : vector<10000x64xf32> to vector<64xf32>
    %div3A_156 = vector.broadcast %sub3A_153 : f32 to vector<64xf32>
    %div3A_157 = arith.divf %reduce_sum3A_155, %div3A_156 : vector<64xf32>
    %gt3A_158 = arith.constant 0.000000e+00 : f32
    %gt3A_159 = arith.cmpf ogt, %sub3A_153, %gt3A_158 : f32
    %jit3A_160 = arith.constant 0x7FC00000 : f32
    %broadcast_in_dim3A_161 = vector.broadcast %jit3A_160 : f32 to vector<64xf32>
    %select_n3A_162 = arith.select %gt3A_159, %div3A_157, %broadcast_in_dim3A_161 : vector<64xf32>
    %broadcast_in_dim3A_163 = vector.shape_cast %div3A_140 : vector<64xf32> to vector<1x64xf32>
    %sub3A_164 = vector.broadcast %broadcast_in_dim3A_163 : vector<1x64xf32> to vector<10000x64xf32>
    %sub3A_165 = arith.subf %add3A_129, %sub3A_164 : vector<10000x64xf32>
    %mul3A_166 = vector.broadcast %get3A_132 : vector<1x64xf32> to vector<10000x64xf32>
    %mul3A_167 = arith.mulf %mul3A_166, %sub3A_165 : vector<10000x64xf32>
    %add3A_168 = arith.constant 9.99999974E-6 : f32
    %add3A_169 = vector.broadcast %add3A_168 : f32 to vector<64xf32>
    %add3A_170 = arith.addf %select_n3A_162, %add3A_169 : vector<64xf32>
    %sqrt3A_171 = math.sqrt %add3A_170 : vector<64xf32>
    %broadcast_in_dim3A_172 = vector.shape_cast %sqrt3A_171 : vector<64xf32> to vector<1x64xf32>
    %div3A_173 = vector.broadcast %broadcast_in_dim3A_172 : vector<1x64xf32> to vector<10000x64xf32>
    %div3A_174 = arith.divf %mul3A_167, %div3A_173 : vector<10000x64xf32>
    %add3A_175 = vector.broadcast %get3A_135 : vector<1x64xf32> to vector<10000x64xf32>
    %add3A_176 = arith.addf %div3A_174, %add3A_175 : vector<10000x64xf32>
    %max3A_177 = arith.constant 0.000000e+00 : f32
    %max3A_178 = vector.broadcast %max3A_177 : f32 to vector<10000x64xf32>
    %max3A_179 = arith.maximumf %add3A_176, %max3A_178 : vector<10000x64xf32>
    %swap3A = arith.constant 0 : index
    %swap3A_180 = arith.constant 0 : index
    %swap3A_181 = vector.load %arg14[%swap3A, %swap3A_180] : memref<10000x64xf32, #tpu.memory_space<vmem>>, vector<10000x64xf32>
    tpu.vector_store %arg14[%swap3A, %swap3A_180], %max3A_179 {strides = array<i32>} : memref<10000x64xf32, #tpu.memory_space<vmem>>, vector<10000x64xf32>,
    return
  }
}

module attributes {stable_mosaic.version = 14 : i64} {
  func.func @_tc_layer_body(%arg0: memref<10000x64xf32, #tpu.memory_space<vmem>>, %arg1: memref<2x10240x64xf32, #tpu.memory_space<vmem>>, %arg2: memref<64x64xf32, #tpu.memory_space<vmem>>, %arg3: memref<1x64xf32, #tpu.memory_space<vmem>>, %arg4: memref<1x64xf32, #tpu.memory_space<vmem>>, %arg5: memref<1x64xf32, #tpu.memory_space<vmem>>, %arg6: memref<64x64xf32, #tpu.memory_space<vmem>>, %arg7: memref<1x64xf32, #tpu.memory_space<vmem>>, %arg8: memref<1x64xf32, #tpu.memory_space<vmem>>, %arg9: memref<1x64xf32, #tpu.memory_space<vmem>>, %arg10: memref<64x64xf32, #tpu.memory_space<vmem>>, %arg11: memref<1x64xf32, #tpu.memory_space<vmem>>, %arg12: memref<1x64xf32, #tpu.memory_space<vmem>>, %arg13: memref<1x64xf32, #tpu.memory_space<vmem>>, %arg14: memref<10000x64xf32, #tpu.memory_space<vmem>>) attributes {dimension_semantics = [], scalar_prefetch = 0 : i64, scratch_operands = 0 : i64, tpu.core_type = #tpu.core_type<tc>} {
    %get3A = arith.constant 0 : index
    %get3A_0 = arith.constant 0 : index
    %get3A_1 = vector.load %arg0[%get3A, %get3A_0] : memref<10000x64xf32, #tpu.memory_space<vmem>>, vector<10000x64xf32>
    %get3A_2 = arith.constant 0 : index
    %get3A_3 = arith.constant 0 : index
    %get3A_4 = arith.constant 0 : index
    %get3A_5 = vector.load %arg1[%get3A_2, %get3A_3, %get3A_4] : memref<2x10240x64xf32, #tpu.memory_space<vmem>>, vector<1x10000x64xf32>
    %get3A_6 = vector.shape_cast %get3A_5 : vector<1x10000x64xf32> to vector<10000x64xf32>
    %add3A = arith.addf %get3A_1, %get3A_6 : vector<10000x64xf32>
    %get3A_7 = arith.constant 1 : index
    %get3A_8 = arith.constant 0 : index
    %get3A_9 = arith.constant 0 : index
    %get3A_10 = vector.load %arg1[%get3A_7, %get3A_8, %get3A_9] : memref<2x10240x64xf32, #tpu.memory_space<vmem>>, vector<1x10000x64xf32>
    %get3A_11 = vector.shape_cast %get3A_10 : vector<1x10000x64xf32> to vector<10000x64xf32>
    %add3A_12 = arith.addf %add3A, %get3A_11 : vector<10000x64xf32>
    %get3A_13 = arith.constant 0 : index
    %get3A_14 = arith.constant 0 : index
    %get3A_15 = vector.load %arg2[%get3A_13, %get3A_14] : memref<64x64xf32, #tpu.memory_space<vmem>>, vector<64x64xf32>
    %dot_general3A = arith.constant dense<0.000000e+00> : vector<10000x64xf32>
    %dot_general3A_16 = tpu.matmul %add3A_12, %get3A_15, %dot_general3A {dimension_numbers = #tpu.dot_dimension_numbers<[1], [0], [0], [1], [0, 0, 1, 1], [], []>, transpose_lhs_hint = false} : vector<10000x64xf32>, vector<64x64xf32>, vector<10000x64xf32> -> vector<10000x64xf32>
    %get3A_17 = arith.constant 0 : index
    %get3A_18 = arith.constant 0 : index
    %get3A_19 = vector.load %arg3[%get3A_17, %get3A_18] : memref<1x64xf32, #tpu.memory_space<vmem>>, vector<1x64xf32>
    %add3A_20 = vector.broadcast %get3A_19 : vector<1x64xf32> to vector<10000x64xf32>
    %add3A_21 = arith.addf %dot_general3A_16, %add3A_20 : vector<10000x64xf32>
    %get3A_22 = arith.constant 0 : index
    %get3A_23 = arith.constant 0 : index
    %get3A_24 = vector.load %arg4[%get3A_22, %get3A_23] : memref<1x64xf32, #tpu.memory_space<vmem>>, vector<1x64xf32>
    %get3A_25 = arith.constant 0 : index
    %get3A_26 = arith.constant 0 : index
    %get3A_27 = vector.load %arg5[%get3A_25, %get3A_26] : memref<1x64xf32, #tpu.memory_space<vmem>>, vector<1x64xf32>
    %reduce_sum3A = arith.constant dense<0.000000e+00> : vector<64xf32>
    %reduce_sum3A_28 = vector.multi_reduction <add>, %add3A_21, %reduce_sum3A [0] : vector<10000x64xf32> to vector<64xf32>
    %div3A = arith.constant 1.000000e+04 : f32
    %div3A_29 = vector.broadcast %div3A : f32 to vector<64xf32>
    %div3A_30 = arith.divf %reduce_sum3A_28, %div3A_29 : vector<64xf32>
    %jit3A = arith.constant 0 : i32
    %reduce_sum3A_31 = arith.constant dense<0.000000e+00> : vector<64xf32>
    %reduce_sum3A_32 = vector.multi_reduction <add>, %add3A_21, %reduce_sum3A_31 [0] : vector<10000x64xf32> to vector<64xf32>
    %broadcast_in_dim3A = vector.shape_cast %reduce_sum3A_32 : vector<64xf32> to vector<1x64xf32>
    %div3A_33 = arith.constant 1.000000e+04 : f32
    %div3A_34 = vector.broadcast %div3A_33 : f32 to vector<1x64xf32>
    %div3A_35 = arith.divf %broadcast_in_dim3A, %div3A_34 : vector<1x64xf32>
    %sub3A = vector.broadcast %div3A_35 : vector<1x64xf32> to vector<10000x64xf32>
    %sub3A_36 = arith.subf %add3A_21, %sub3A : vector<10000x64xf32>
    %square3A = arith.mulf %sub3A_36, %sub3A_36 : vector<10000x64xf32>
    %convert_element_type3A = arith.sitofp %jit3A : i32 to f32
    %sub3A_37 = arith.constant 1.000000e+04 : f32
    %sub3A_38 = arith.subf %sub3A_37, %convert_element_type3A : f32
    %reduce_sum3A_39 = arith.constant dense<0.000000e+00> : vector<64xf32>
    %reduce_sum3A_40 = vector.multi_reduction <add>, %square3A, %reduce_sum3A_39 [0] : vector<10000x64xf32> to vector<64xf32>
    %div3A_41 = vector.broadcast %sub3A_38 : f32 to vector<64xf32>
    %div3A_42 = arith.divf %reduce_sum3A_40, %div3A_41 : vector<64xf32>
    %gt3A = arith.constant 0.000000e+00 : f32
    %gt3A_43 = arith.cmpf ogt, %sub3A_38, %gt3A : f32
    %jit3A_44 = arith.constant 0x7FC00000 : f32
    %broadcast_in_dim3A_45 = vector.broadcast %jit3A_44 : f32 to vector<64xf32>
    %select_n3A = arith.select %gt3A_43, %div3A_42, %broadcast_in_dim3A_45 : vector<64xf32>
    %broadcast_in_dim3A_46 = vector.shape_cast %div3A_30 : vector<64xf32> to vector<1x64xf32>
    %sub3A_47 = vector.broadcast %broadcast_in_dim3A_46 : vector<1x64xf32> to vector<10000x64xf32>
    %sub3A_48 = arith.subf %add3A_21, %sub3A_47 : vector<10000x64xf32>
    %mul3A = vector.broadcast %get3A_24 : vector<1x64xf32> to vector<10000x64xf32>
    %mul3A_49 = arith.mulf %mul3A, %sub3A_48 : vector<10000x64xf32>
    %add3A_50 = arith.constant 9.99999974E-6 : f32
    %add3A_51 = vector.broadcast %add3A_50 : f32 to vector<64xf32>
    %add3A_52 = arith.addf %select_n3A, %add3A_51 : vector<64xf32>
    %sqrt3A = math.sqrt %add3A_52 : vector<64xf32>
    %broadcast_in_dim3A_53 = vector.shape_cast %sqrt3A : vector<64xf32> to vector<1x64xf32>
    %div3A_54 = vector.broadcast %broadcast_in_dim3A_53 : vector<1x64xf32> to vector<10000x64xf32>
    %div3A_55 = arith.divf %mul3A_49, %div3A_54 : vector<10000x64xf32>
    %add3A_56 = vector.broadcast %get3A_27 : vector<1x64xf32> to vector<10000x64xf32>
    %add3A_57 = arith.addf %div3A_55, %add3A_56 : vector<10000x64xf32>
    %max3A = arith.constant 0.000000e+00 : f32
    %max3A_58 = vector.broadcast %max3A : f32 to vector<10000x64xf32>
    %max3A_59 = arith.maximumf %add3A_57, %max3A_58 : vector<10000x64xf32>
    %get3A_60 = arith.constant 0 : index
    %get3A_61 = arith.constant 0 : index
    %get3A_62 = vector.load %arg6[%get3A_60, %get3A_61] : memref<64x64xf32, #tpu.memory_space<vmem>>, vector<64x64xf32>
    %dot_general3A_63 = arith.constant dense<0.000000e+00> : vector<10000x64xf32>
    %dot_general3A_64 = tpu.matmul %max3A_59, %get3A_62, %dot_general3A_63 {dimension_numbers = #tpu.dot_dimension_numbers<[1], [0], [0], [1], [0, 0, 1, 1], [], []>, transpose_lhs_hint = false} : vector<10000x64xf32>, vector<64x64xf32>, vector<10000x64xf32> -> vector<10000x64xf32>
    %get3A_65 = arith.constant 0 : index
    %get3A_66 = arith.constant 0 : index
    %get3A_67 = vector.load %arg7[%get3A_65, %get3A_66] : memref<1x64xf32, #tpu.memory_space<vmem>>, vector<1x64xf32>
    %add3A_68 = vector.broadcast %get3A_67 : vector<1x64xf32> to vector<10000x64xf32>
    %add3A_69 = arith.addf %dot_general3A_64, %add3A_68 : vector<10000x64xf32>
    %get3A_70 = arith.constant 0 : index
    %get3A_71 = arith.constant 0 : index
    %get3A_72 = vector.load %arg8[%get3A_70, %get3A_71] : memref<1x64xf32, #tpu.memory_space<vmem>>, vector<1x64xf32>
    %get3A_73 = arith.constant 0 : index
    %get3A_74 = arith.constant 0 : index
    %get3A_75 = vector.load %arg9[%get3A_73, %get3A_74] : memref<1x64xf32, #tpu.memory_space<vmem>>, vector<1x64xf32>
    %reduce_sum3A_76 = arith.constant dense<0.000000e+00> : vector<64xf32>
    %reduce_sum3A_77 = vector.multi_reduction <add>, %add3A_69, %reduce_sum3A_76 [0] : vector<10000x64xf32> to vector<64xf32>
    %div3A_78 = arith.constant 1.000000e+04 : f32
    %div3A_79 = vector.broadcast %div3A_78 : f32 to vector<64xf32>
    %div3A_80 = arith.divf %reduce_sum3A_77, %div3A_79 : vector<64xf32>
    %jit3A_81 = arith.constant 0 : i32
    %reduce_sum3A_82 = arith.constant dense<0.000000e+00> : vector<64xf32>
    %reduce_sum3A_83 = vector.multi_reduction <add>, %add3A_69, %reduce_sum3A_82 [0] : vector<10000x64xf32> to vector<64xf32>
    %broadcast_in_dim3A_84 = vector.shape_cast %reduce_sum3A_83 : vector<64xf32> to vector<1x64xf32>
    %div3A_85 = arith.constant 1.000000e+04 : f32
    %div3A_86 = vector.broadcast %div3A_85 : f32 to vector<1x64xf32>
    %div3A_87 = arith.divf %broadcast_in_dim3A_84, %div3A_86 : vector<1x64xf32>
    %sub3A_88 = vector.broadcast %div3A_87 : vector<1x64xf32> to vector<10000x64xf32>
    %sub3A_89 = arith.subf %add3A_69, %sub3A_88 : vector<10000x64xf32>
    %square3A_90 = arith.mulf %sub3A_89, %sub3A_89 : vector<10000x64xf32>
    %convert_element_type3A_91 = arith.sitofp %jit3A_81 : i32 to f32
    %sub3A_92 = arith.constant 1.000000e+04 : f32
    %sub3A_93 = arith.subf %sub3A_92, %convert_element_type3A_91 : f32
    %reduce_sum3A_94 = arith.constant dense<0.000000e+00> : vector<64xf32>
    %reduce_sum3A_95 = vector.multi_reduction <add>, %square3A_90, %reduce_sum3A_94 [0] : vector<10000x64xf32> to vector<64xf32>
    %div3A_96 = vector.broadcast %sub3A_93 : f32 to vector<64xf32>
    %div3A_97 = arith.divf %reduce_sum3A_95, %div3A_96 : vector<64xf32>
    %gt3A_98 = arith.constant 0.000000e+00 : f32
    %gt3A_99 = arith.cmpf ogt, %sub3A_93, %gt3A_98 : f32
    %jit3A_100 = arith.constant 0x7FC00000 : f32
    %broadcast_in_dim3A_101 = vector.broadcast %jit3A_100 : f32 to vector<64xf32>
    %select_n3A_102 = arith.select %gt3A_99, %div3A_97, %broadcast_in_dim3A_101 : vector<64xf32>
    %broadcast_in_dim3A_103 = vector.shape_cast %div3A_80 : vector<64xf32> to vector<1x64xf32>
    %sub3A_104 = vector.broadcast %broadcast_in_dim3A_103 : vector<1x64xf32> to vector<10000x64xf32>
    %sub3A_105 = arith.subf %add3A_69, %sub3A_104 : vector<10000x64xf32>
    %mul3A_106 = vector.broadcast %get3A_72 : vector<1x64xf32> to vector<10000x64xf32>
    %mul3A_107 = arith.mulf %mul3A_106, %sub3A_105 : vector<10000x64xf32>
    %add3A_108 = arith.constant 9.99999974E-6 : f32
    %add3A_109 = vector.broadcast %add3A_108 : f32 to vector<64xf32>
    %add3A_110 = arith.addf %select_n3A_102, %add3A_109 : vector<64xf32>
    %sqrt3A_111 = math.sqrt %add3A_110 : vector<64xf32>
    %broadcast_in_dim3A_112 = vector.shape_cast %sqrt3A_111 : vector<64xf32> to vector<1x64xf32>
    %div3A_113 = vector.broadcast %broadcast_in_dim3A_112 : vector<1x64xf32> to vector<10000x64xf32>
    %div3A_114 = arith.divf %mul3A_107, %div3A_113 : vector<10000x64xf32>
    %add3A_115 = vector.broadcast %get3A_75 : vector<1x64xf32> to vector<10000x64xf32>
    %add3A_116 = arith.addf %div3A_114, %add3A_115 : vector<10000x64xf32>
    %max3A_117 = arith.constant 0.000000e+00 : f32
    %max3A_118 = vector.broadcast %max3A_117 : f32 to vector<10000x64xf32>
    %max3A_119 = arith.maximumf %add3A_116, %max3A_118 : vector<10000x64xf32>
    %get3A_120 = arith.constant 0 : index
    %get3A_121 = arith.constant 0 : index
    %get3A_122 = vector.load %arg10[%get3A_120, %get3A_121] : memref<64x64xf32, #tpu.memory_space<vmem>>, vector<64x64xf32>
    %dot_general3A_123 = arith.constant dense<0.000000e+00> : vector<10000x64xf32>
    %dot_general3A_124 = tpu.matmul %max3A_119, %get3A_122, %dot_general3A_123 {dimension_numbers = #tpu.dot_dimension_numbers<[1], [0], [0], [1], [0, 0, 1, 1], [], []>, transpose_lhs_hint = false} : vector<10000x64xf32>, vector<64x64xf32>, vector<10000x64xf32> -> vector<10000x64xf32>
    %get3A_125 = arith.constant 0 : index
    %get3A_126 = arith.constant 0 : index
    %get3A_127 = vector.load %arg11[%get3A_125, %get3A_126] : memref<1x64xf32, #tpu.memory_space<vmem>>, vector<1x64xf32>
    %add3A_128 = vector.broadcast %get3A_127 : vector<1x64xf32> to vector<10000x64xf32>
    %add3A_129 = arith.addf %dot_general3A_124, %add3A_128 : vector<10000x64xf32>
    %get3A_130 = arith.constant 0 : index
    %get3A_131 = arith.constant 0 : index
    %get3A_132 = vector.load %arg12[%get3A_130, %get3A_131] : memref<1x64xf32, #tpu.memory_space<vmem>>, vector<1x64xf32>
    %get3A_133 = arith.constant 0 : index
    %get3A_134 = arith.constant 0 : index
    %get3A_135 = vector.load %arg13[%get3A_133, %get3A_134] : memref<1x64xf32, #tpu.memory_space<vmem>>, vector<1x64xf32>
    %reduce_sum3A_136 = arith.constant dense<0.000000e+00> : vector<64xf32>
    %reduce_sum3A_137 = vector.multi_reduction <add>, %add3A_129, %reduce_sum3A_136 [0] : vector<10000x64xf32> to vector<64xf32>
    %div3A_138 = arith.constant 1.000000e+04 : f32
    %div3A_139 = vector.broadcast %div3A_138 : f32 to vector<64xf32>
    %div3A_140 = arith.divf %reduce_sum3A_137, %div3A_139 : vector<64xf32>
    %jit3A_141 = arith.constant 0 : i32
    %reduce_sum3A_142 = arith.constant dense<0.000000e+00> : vector<64xf32>
    %reduce_sum3A_143 = vector.multi_reduction <add>, %add3A_129, %reduce_sum3A_142 [0] : vector<10000x64xf32> to vector<64xf32>
    %broadcast_in_dim3A_144 = vector.shape_cast %reduce_sum3A_143 : vector<64xf32> to vector<1x64xf32>
    %div3A_145 = arith.constant 1.000000e+04 : f32
    %div3A_146 = vector.broadcast %div3A_145 : f32 to vector<1x64xf32>
    %div3A_147 = arith.divf %broadcast_in_dim3A_144, %div3A_146 : vector<1x64xf32>
    %sub3A_148 = vector.broadcast %div3A_147 : vector<1x64xf32> to vector<10000x64xf32>
    %sub3A_149 = arith.subf %add3A_129, %sub3A_148 : vector<10000x64xf32>
    %square3A_150 = arith.mulf %sub3A_149, %sub3A_149 : vector<10000x64xf32>
    %convert_element_type3A_151 = arith.sitofp %jit3A_141 : i32 to f32
    %sub3A_152 = arith.constant 1.000000e+04 : f32
    %sub3A_153 = arith.subf %sub3A_152, %convert_element_type3A_151 : f32
    %reduce_sum3A_154 = arith.constant dense<0.000000e+00> : vector<64xf32>
    %reduce_sum3A_155 = vector.multi_reduction <add>, %square3A_150, %reduce_sum3A_154 [0] : vector<10000x64xf32> to vector<64xf32>
    %div3A_156 = vector.broadcast %sub3A_153 : f32 to vector<64xf32>
    %div3A_157 = arith.divf %reduce_sum3A_155, %div3A_156 : vector<64xf32>
    %gt3A_158 = arith.constant 0.000000e+00 : f32
    %gt3A_159 = arith.cmpf ogt, %sub3A_153, %gt3A_158 : f32
    %jit3A_160 = arith.constant 0x7FC00000 : f32
    %broadcast_in_dim3A_161 = vector.broadcast %jit3A_160 : f32 to vector<64xf32>
    %select_n3A_162 = arith.select %gt3A_159, %div3A_157, %broadcast_in_dim3A_161 : vector<64xf32>
    %broadcast_in_dim3A_163 = vector.shape_cast %div3A_140 : vector<64xf32> to vector<1x64xf32>
    %sub3A_164 = vector.broadcast %broadcast_in_dim3A_163 : vector<1x64xf32> to vector<10000x64xf32>
    %sub3A_165 = arith.subf %add3A_129, %sub3A_164 : vector<10000x64xf32>
    %mul3A_166 = vector.broadcast %get3A_132 : vector<1x64xf32> to vector<10000x64xf32>
    %mul3A_167 = arith.mulf %mul3A_166, %sub3A_165 : vector<10000x64xf32>
    %add3A_168 = arith.constant 9.99999974E-6 : f32
    %add3A_169 = vector.broadcast %add3A_168 : f32 to vector<64xf32>
    %add3A_170 = arith.addf %select_n3A_162, %add3A_169 : vector<64xf32>
    %sqrt3A_171 = math.sqrt %add3A_170 : vector<64xf32>
    %broadcast_in_dim3A_172 = vector.shape_cast %sqrt3A_171 : vector<64xf32> to vector<1x64xf32>
    %div3A_173 = vector.broadcast %broadcast_in_dim3A_172 : vector<1x64xf32> to vector<10000x64xf32>
    %div3A_174 = arith.divf %mul3A_167, %div3A_173 : vector<10000x64xf32>
    %add3A_175 = vector.broadcast %get3A_135 : vector<1x64xf32> to vector<10000x64xf32>
    %add3A_176 = arith.addf %div3A_174, %add3A_175 : vector<10000x64xf32>
    %max3A_177 = arith.constant 0.000000e+00 : f32
    %max3A_178 = vector.broadcast %max3A_177 : f32 to vector<10000x64xf32>
    %max3A_179 = arith.maximumf %add3A_176, %max3A_178 : vector<10000x64xf32>
    %swap3A = arith.constant 0 : index
    %swap3A_180 = arith.constant 0 : index
    %swap3A_181 = vector.load %arg14[%swap3A, %swap3A_180] : memref<10000x64xf32, #tpu.memory_space<vmem>>, vector<10000x64xf32>
    tpu.vector_store %arg14[%swap3A, %swap3A_180], %max3A_179 {strides = array<i32>} : memref<10000x64xf32, #tpu.memory_space<vmem>>, vector<10000x64xf32>,
    return
  }
}

module attributes {stable_mosaic.version = 14 : i64} {
  func.func @_tc_pool_body(%arg0: memref<10000x128xf32, #tpu.memory_space<vmem>>, %arg1: memref<10000x64xf32, #tpu.memory_space<vmem>>, %arg2: memref<10000x64xf32, #tpu.memory_space<vmem>>, %arg3: memref<10000x64xf32, #tpu.memory_space<vmem>>, %arg4: memref<1x10000xi32, #tpu.memory_space<vmem>>, %arg5: memref<128x64xf32, #tpu.memory_space<vmem>>, %arg6: memref<1x64xf32, #tpu.memory_space<vmem>>, %arg7: memref<64x64xf32, #tpu.memory_space<vmem>>, %arg8: memref<1x64xf32, #tpu.memory_space<vmem>>, %arg9: memref<64x2xf32, #tpu.memory_space<vmem>>, %arg10: memref<1x2xf32, #tpu.memory_space<vmem>>, %arg11: memref<64x64xf32, #tpu.memory_space<vmem>>, %arg12: memref<1x64xf32, #tpu.memory_space<vmem>>, %arg13: memref<64x64xf32, #tpu.memory_space<vmem>>, %arg14: memref<1x64xf32, #tpu.memory_space<vmem>>, %arg15: memref<64x2xf32, #tpu.memory_space<vmem>>, %arg16: memref<1x2xf32, #tpu.memory_space<vmem>>, %arg17: memref<64x64xf32, #tpu.memory_space<vmem>>, %arg18: memref<1x64xf32, #tpu.memory_space<vmem>>, %arg19: memref<64x64xf32, #tpu.memory_space<vmem>>, %arg20: memref<1x64xf32, #tpu.memory_space<vmem>>, %arg21: memref<64x2xf32, #tpu.memory_space<vmem>>, %arg22: memref<1x2xf32, #tpu.memory_space<vmem>>, %arg23: memref<64x64xf32, #tpu.memory_space<vmem>>, %arg24: memref<1x64xf32, #tpu.memory_space<vmem>>, %arg25: memref<64x64xf32, #tpu.memory_space<vmem>>, %arg26: memref<1x64xf32, #tpu.memory_space<vmem>>, %arg27: memref<64x2xf32, #tpu.memory_space<vmem>>, %arg28: memref<1x2xf32, #tpu.memory_space<vmem>>, %arg29: memref<128x2xf32, #tpu.memory_space<vmem>>) attributes {dimension_semantics = [], scalar_prefetch = 0 : i64, scratch_operands = 0 : i64, tpu.core_type = #tpu.core_type<tc>} {
    %get3A = arith.constant 0 : index
    %get3A_0 = arith.constant 0 : index
    %get3A_1 = vector.load %arg4[%get3A, %get3A_0] : memref<1x10000xi32, #tpu.memory_space<vmem>>, vector<1x10000xi32>
    %iota3A = tpu.iota {dimensions = array<i32: 0>} : vector<128x10000xi32>
    %eq3A = vector.broadcast %get3A_1 : vector<1x10000xi32> to vector<128x10000xi32>
    %eq3A_2 = arith.cmpi eq, %iota3A, %eq3A : vector<128x10000xi32>
    %convert_element_type3A = arith.extui %eq3A_2 : vector<128x10000xi1> to vector<128x10000xi32>
    %convert_element_type3A_3 = arith.sitofp %convert_element_type3A : vector<128x10000xi32> to vector<128x10000xf32>
    %get3A_4 = arith.constant 0 : index
    %get3A_5 = arith.constant 0 : index
    %get3A_6 = vector.load %arg0[%get3A_4, %get3A_5] : memref<10000x128xf32, #tpu.memory_space<vmem>>, vector<10000x128xf32>
    %get3A_7 = arith.constant 0 : index
    %get3A_8 = arith.constant 0 : index
    %get3A_9 = vector.load %arg1[%get3A_7, %get3A_8] : memref<10000x64xf32, #tpu.memory_space<vmem>>, vector<10000x64xf32>
    %get3A_10 = arith.constant 0 : index
    %get3A_11 = arith.constant 0 : index
    %get3A_12 = vector.load %arg2[%get3A_10, %get3A_11] : memref<10000x64xf32, #tpu.memory_space<vmem>>, vector<10000x64xf32>
    %get3A_13 = arith.constant 0 : index
    %get3A_14 = arith.constant 0 : index
    %get3A_15 = vector.load %arg3[%get3A_13, %get3A_14] : memref<10000x64xf32, #tpu.memory_space<vmem>>, vector<10000x64xf32>
    %broadcast_in_dim3A = arith.constant 0.000000e+00 : f32
    %broadcast_in_dim3A_16 = vector.broadcast %broadcast_in_dim3A : f32 to vector<128x2xf32>
    %dot_general3A = arith.constant dense<0.000000e+00> : vector<128x128xf32>
    %dot_general3A_17 = tpu.matmul %convert_element_type3A_3, %get3A_6, %dot_general3A {dimension_numbers = #tpu.dot_dimension_numbers<[1], [0], [0], [1], [0, 0, 1, 1], [], []>, precision = #tpu.contract_precision<fp32>, transpose_lhs_hint = false} : vector<128x10000xf32>, vector<10000x128xf32>, vector<128x128xf32> -> vector<128x128xf32>
    %get3A_18 = arith.constant 0 : index
    %get3A_19 = arith.constant 0 : index
    %get3A_20 = vector.load %arg5[%get3A_18, %get3A_19] : memref<128x64xf32, #tpu.memory_space<vmem>>, vector<128x64xf32>
    %get3A_21 = arith.constant 0 : index
    %get3A_22 = arith.constant 0 : index
    %get3A_23 = vector.load %arg6[%get3A_21, %get3A_22] : memref<1x64xf32, #tpu.memory_space<vmem>>, vector<1x64xf32>
    %get3A_24 = arith.constant 0 : index
    %get3A_25 = arith.constant 0 : index
    %get3A_26 = vector.load %arg7[%get3A_24, %get3A_25] : memref<64x64xf32, #tpu.memory_space<vmem>>, vector<64x64xf32>
    %get3A_27 = arith.constant 0 : index
    %get3A_28 = arith.constant 0 : index
    %get3A_29 = vector.load %arg8[%get3A_27, %get3A_28] : memref<1x64xf32, #tpu.memory_space<vmem>>, vector<1x64xf32>
    %get3A_30 = arith.constant 0 : index
    %get3A_31 = arith.constant 0 : index
    %get3A_32 = vector.load %arg9[%get3A_30, %get3A_31] : memref<64x2xf32, #tpu.memory_space<vmem>>, vector<64x2xf32>
    %get3A_33 = arith.constant 0 : index
    %get3A_34 = arith.constant 0 : index
    %get3A_35 = vector.load %arg10[%get3A_33, %get3A_34] : memref<1x2xf32, #tpu.memory_space<vmem>>, vector<1x2xf32>
    %dot_general3A_36 = arith.constant dense<0.000000e+00> : vector<128x64xf32>
    %dot_general3A_37 = tpu.matmul %dot_general3A_17, %get3A_20, %dot_general3A_36 {dimension_numbers = #tpu.dot_dimension_numbers<[1], [0], [0], [1], [0, 0, 1, 1], [], []>, transpose_lhs_hint = false} : vector<128x128xf32>, vector<128x64xf32>, vector<128x64xf32> -> vector<128x64xf32>
    %add3A = vector.broadcast %get3A_23 : vector<1x64xf32> to vector<128x64xf32>
    %add3A_38 = arith.addf %dot_general3A_37, %add3A : vector<128x64xf32>
    %max3A = arith.constant 0.000000e+00 : f32
    %max3A_39 = vector.broadcast %max3A : f32 to vector<128x64xf32>
    %max3A_40 = arith.maximumf %add3A_38, %max3A_39 : vector<128x64xf32>
    %dot_general3A_41 = arith.constant dense<0.000000e+00> : vector<128x64xf32>
    %dot_general3A_42 = tpu.matmul %max3A_40, %get3A_26, %dot_general3A_41 {dimension_numbers = #tpu.dot_dimension_numbers<[1], [0], [0], [1], [0, 0, 1, 1], [], []>, transpose_lhs_hint = false} : vector<128x64xf32>, vector<64x64xf32>, vector<128x64xf32> -> vector<128x64xf32>
    %add3A_43 = vector.broadcast %get3A_29 : vector<1x64xf32> to vector<128x64xf32>
    %add3A_44 = arith.addf %dot_general3A_42, %add3A_43 : vector<128x64xf32>
    %max3A_45 = arith.constant 0.000000e+00 : f32
    %max3A_46 = vector.broadcast %max3A_45 : f32 to vector<128x64xf32>
    %max3A_47 = arith.maximumf %add3A_44, %max3A_46 : vector<128x64xf32>
    %dot_general3A_48 = arith.constant dense<0.000000e+00> : vector<128x2xf32>
    %dot_general3A_49 = tpu.matmul %max3A_47, %get3A_32, %dot_general3A_48 {dimension_numbers = #tpu.dot_dimension_numbers<[1], [0], [0], [1], [0, 0, 1, 1], [], []>, transpose_lhs_hint = false} : vector<128x64xf32>, vector<64x2xf32>, vector<128x2xf32> -> vector<128x2xf32>
    %add3A_50 = arith.addf %broadcast_in_dim3A_16, %dot_general3A_49 : vector<128x2xf32>
    %add3A_51 = vector.broadcast %get3A_35 : vector<1x2xf32> to vector<128x2xf32>
    %add3A_52 = arith.addf %add3A_50, %add3A_51 : vector<128x2xf32>
    %dot_general3A_53 = arith.constant dense<0.000000e+00> : vector<128x64xf32>
    %dot_general3A_54 = tpu.matmul %convert_element_type3A_3, %get3A_9, %dot_general3A_53 {dimension_numbers = #tpu.dot_dimension_numbers<[1], [0], [0], [1], [0, 0, 1, 1], [], []>, precision = #tpu.contract_precision<fp32>, transpose_lhs_hint = false} : vector<128x10000xf32>, vector<10000x64xf32>, vector<128x64xf32> -> vector<128x64xf32>
    %get3A_55 = arith.constant 0 : index
    %get3A_56 = arith.constant 0 : index
    %get3A_57 = vector.load %arg11[%get3A_55, %get3A_56] : memref<64x64xf32, #tpu.memory_space<vmem>>, vector<64x64xf32>
    %get3A_58 = arith.constant 0 : index
    %get3A_59 = arith.constant 0 : index
    %get3A_60 = vector.load %arg12[%get3A_58, %get3A_59] : memref<1x64xf32, #tpu.memory_space<vmem>>, vector<1x64xf32>
    %get3A_61 = arith.constant 0 : index
    %get3A_62 = arith.constant 0 : index
    %get3A_63 = vector.load %arg13[%get3A_61, %get3A_62] : memref<64x64xf32, #tpu.memory_space<vmem>>, vector<64x64xf32>
    %get3A_64 = arith.constant 0 : index
    %get3A_65 = arith.constant 0 : index
    %get3A_66 = vector.load %arg14[%get3A_64, %get3A_65] : memref<1x64xf32, #tpu.memory_space<vmem>>, vector<1x64xf32>
    %get3A_67 = arith.constant 0 : index
    %get3A_68 = arith.constant 0 : index
    %get3A_69 = vector.load %arg15[%get3A_67, %get3A_68] : memref<64x2xf32, #tpu.memory_space<vmem>>, vector<64x2xf32>
    %get3A_70 = arith.constant 0 : index
    %get3A_71 = arith.constant 0 : index
    %get3A_72 = vector.load %arg16[%get3A_70, %get3A_71] : memref<1x2xf32, #tpu.memory_space<vmem>>, vector<1x2xf32>
    %dot_general3A_73 = arith.constant dense<0.000000e+00> : vector<128x64xf32>
    %dot_general3A_74 = tpu.matmul %dot_general3A_54, %get3A_57, %dot_general3A_73 {dimension_numbers = #tpu.dot_dimension_numbers<[1], [0], [0], [1], [0, 0, 1, 1], [], []>, transpose_lhs_hint = false} : vector<128x64xf32>, vector<64x64xf32>, vector<128x64xf32> -> vector<128x64xf32>
    %add3A_75 = vector.broadcast %get3A_60 : vector<1x64xf32> to vector<128x64xf32>
    %add3A_76 = arith.addf %dot_general3A_74, %add3A_75 : vector<128x64xf32>
    %max3A_77 = arith.constant 0.000000e+00 : f32
    %max3A_78 = vector.broadcast %max3A_77 : f32 to vector<128x64xf32>
    %max3A_79 = arith.maximumf %add3A_76, %max3A_78 : vector<128x64xf32>
    %dot_general3A_80 = arith.constant dense<0.000000e+00> : vector<128x64xf32>
    %dot_general3A_81 = tpu.matmul %max3A_79, %get3A_63, %dot_general3A_80 {dimension_numbers = #tpu.dot_dimension_numbers<[1], [0], [0], [1], [0, 0, 1, 1], [], []>, transpose_lhs_hint = false} : vector<128x64xf32>, vector<64x64xf32>, vector<128x64xf32> -> vector<128x64xf32>
    %add3A_82 = vector.broadcast %get3A_66 : vector<1x64xf32> to vector<128x64xf32>
    %add3A_83 = arith.addf %dot_general3A_81, %add3A_82 : vector<128x64xf32>
    %max3A_84 = arith.constant 0.000000e+00 : f32
    %max3A_85 = vector.broadcast %max3A_84 : f32 to vector<128x64xf32>
    %max3A_86 = arith.maximumf %add3A_83, %max3A_85 : vector<128x64xf32>
    %dot_general3A_87 = arith.constant dense<0.000000e+00> : vector<128x2xf32>
    %dot_general3A_88 = tpu.matmul %max3A_86, %get3A_69, %dot_general3A_87 {dimension_numbers = #tpu.dot_dimension_numbers<[1], [0], [0], [1], [0, 0, 1, 1], [], []>, transpose_lhs_hint = false} : vector<128x64xf32>, vector<64x2xf32>, vector<128x2xf32> -> vector<128x2xf32>
    %add3A_89 = arith.addf %add3A_52, %dot_general3A_88 : vector<128x2xf32>
    %add3A_90 = vector.broadcast %get3A_72 : vector<1x2xf32> to vector<128x2xf32>
    %add3A_91 = arith.addf %add3A_89, %add3A_90 : vector<128x2xf32>
    %dot_general3A_92 = arith.constant dense<0.000000e+00> : vector<128x64xf32>
    %dot_general3A_93 = tpu.matmul %convert_element_type3A_3, %get3A_12, %dot_general3A_92 {dimension_numbers = #tpu.dot_dimension_numbers<[1], [0], [0], [1], [0, 0, 1, 1], [], []>, precision = #tpu.contract_precision<fp32>, transpose_lhs_hint = false} : vector<128x10000xf32>, vector<10000x64xf32>, vector<128x64xf32> -> vector<128x64xf32>
    %get3A_94 = arith.constant 0 : index
    %get3A_95 = arith.constant 0 : index
    %get3A_96 = vector.load %arg17[%get3A_94, %get3A_95] : memref<64x64xf32, #tpu.memory_space<vmem>>, vector<64x64xf32>
    %get3A_97 = arith.constant 0 : index
    %get3A_98 = arith.constant 0 : index
    %get3A_99 = vector.load %arg18[%get3A_97, %get3A_98] : memref<1x64xf32, #tpu.memory_space<vmem>>, vector<1x64xf32>
    %get3A_100 = arith.constant 0 : index
    %get3A_101 = arith.constant 0 : index
    %get3A_102 = vector.load %arg19[%get3A_100, %get3A_101] : memref<64x64xf32, #tpu.memory_space<vmem>>, vector<64x64xf32>
    %get3A_103 = arith.constant 0 : index
    %get3A_104 = arith.constant 0 : index
    %get3A_105 = vector.load %arg20[%get3A_103, %get3A_104] : memref<1x64xf32, #tpu.memory_space<vmem>>, vector<1x64xf32>
    %get3A_106 = arith.constant 0 : index
    %get3A_107 = arith.constant 0 : index
    %get3A_108 = vector.load %arg21[%get3A_106, %get3A_107] : memref<64x2xf32, #tpu.memory_space<vmem>>, vector<64x2xf32>
    %get3A_109 = arith.constant 0 : index
    %get3A_110 = arith.constant 0 : index
    %get3A_111 = vector.load %arg22[%get3A_109, %get3A_110] : memref<1x2xf32, #tpu.memory_space<vmem>>, vector<1x2xf32>
    %dot_general3A_112 = arith.constant dense<0.000000e+00> : vector<128x64xf32>
    %dot_general3A_113 = tpu.matmul %dot_general3A_93, %get3A_96, %dot_general3A_112 {dimension_numbers = #tpu.dot_dimension_numbers<[1], [0], [0], [1], [0, 0, 1, 1], [], []>, transpose_lhs_hint = false} : vector<128x64xf32>, vector<64x64xf32>, vector<128x64xf32> -> vector<128x64xf32>
    %add3A_114 = vector.broadcast %get3A_99 : vector<1x64xf32> to vector<128x64xf32>
    %add3A_115 = arith.addf %dot_general3A_113, %add3A_114 : vector<128x64xf32>
    %max3A_116 = arith.constant 0.000000e+00 : f32
    %max3A_117 = vector.broadcast %max3A_116 : f32 to vector<128x64xf32>
    %max3A_118 = arith.maximumf %add3A_115, %max3A_117 : vector<128x64xf32>
    %dot_general3A_119 = arith.constant dense<0.000000e+00> : vector<128x64xf32>
    %dot_general3A_120 = tpu.matmul %max3A_118, %get3A_102, %dot_general3A_119 {dimension_numbers = #tpu.dot_dimension_numbers<[1], [0], [0], [1], [0, 0, 1, 1], [], []>, transpose_lhs_hint = false} : vector<128x64xf32>, vector<64x64xf32>, vector<128x64xf32> -> vector<128x64xf32>
    %add3A_121 = vector.broadcast %get3A_105 : vector<1x64xf32> to vector<128x64xf32>
    %add3A_122 = arith.addf %dot_general3A_120, %add3A_121 : vector<128x64xf32>
    %max3A_123 = arith.constant 0.000000e+00 : f32
    %max3A_124 = vector.broadcast %max3A_123 : f32 to vector<128x64xf32>
    %max3A_125 = arith.maximumf %add3A_122, %max3A_124 : vector<128x64xf32>
    %dot_general3A_126 = arith.constant dense<0.000000e+00> : vector<128x2xf32>
    %dot_general3A_127 = tpu.matmul %max3A_125, %get3A_108, %dot_general3A_126 {dimension_numbers = #tpu.dot_dimension_numbers<[1], [0], [0], [1], [0, 0, 1, 1], [], []>, transpose_lhs_hint = false} : vector<128x64xf32>, vector<64x2xf32>, vector<128x2xf32> -> vector<128x2xf32>
    %add3A_128 = arith.addf %add3A_91, %dot_general3A_127 : vector<128x2xf32>
    %add3A_129 = vector.broadcast %get3A_111 : vector<1x2xf32> to vector<128x2xf32>
    %add3A_130 = arith.addf %add3A_128, %add3A_129 : vector<128x2xf32>
    %dot_general3A_131 = arith.constant dense<0.000000e+00> : vector<128x64xf32>
    %dot_general3A_132 = tpu.matmul %convert_element_type3A_3, %get3A_15, %dot_general3A_131 {dimension_numbers = #tpu.dot_dimension_numbers<[1], [0], [0], [1], [0, 0, 1, 1], [], []>, precision = #tpu.contract_precision<fp32>, transpose_lhs_hint = false} : vector<128x10000xf32>, vector<10000x64xf32>, vector<128x64xf32> -> vector<128x64xf32>
    %get3A_133 = arith.constant 0 : index
    %get3A_134 = arith.constant 0 : index
    %get3A_135 = vector.load %arg23[%get3A_133, %get3A_134] : memref<64x64xf32, #tpu.memory_space<vmem>>, vector<64x64xf32>
    %get3A_136 = arith.constant 0 : index
    %get3A_137 = arith.constant 0 : index
    %get3A_138 = vector.load %arg24[%get3A_136, %get3A_137] : memref<1x64xf32, #tpu.memory_space<vmem>>, vector<1x64xf32>
    %get3A_139 = arith.constant 0 : index
    %get3A_140 = arith.constant 0 : index
    %get3A_141 = vector.load %arg25[%get3A_139, %get3A_140] : memref<64x64xf32, #tpu.memory_space<vmem>>, vector<64x64xf32>
    %get3A_142 = arith.constant 0 : index
    %get3A_143 = arith.constant 0 : index
    %get3A_144 = vector.load %arg26[%get3A_142, %get3A_143] : memref<1x64xf32, #tpu.memory_space<vmem>>, vector<1x64xf32>
    %get3A_145 = arith.constant 0 : index
    %get3A_146 = arith.constant 0 : index
    %get3A_147 = vector.load %arg27[%get3A_145, %get3A_146] : memref<64x2xf32, #tpu.memory_space<vmem>>, vector<64x2xf32>
    %get3A_148 = arith.constant 0 : index
    %get3A_149 = arith.constant 0 : index
    %get3A_150 = vector.load %arg28[%get3A_148, %get3A_149] : memref<1x2xf32, #tpu.memory_space<vmem>>, vector<1x2xf32>
    %dot_general3A_151 = arith.constant dense<0.000000e+00> : vector<128x64xf32>
    %dot_general3A_152 = tpu.matmul %dot_general3A_132, %get3A_135, %dot_general3A_151 {dimension_numbers = #tpu.dot_dimension_numbers<[1], [0], [0], [1], [0, 0, 1, 1], [], []>, transpose_lhs_hint = false} : vector<128x64xf32>, vector<64x64xf32>, vector<128x64xf32> -> vector<128x64xf32>
    %add3A_153 = vector.broadcast %get3A_138 : vector<1x64xf32> to vector<128x64xf32>
    %add3A_154 = arith.addf %dot_general3A_152, %add3A_153 : vector<128x64xf32>
    %max3A_155 = arith.constant 0.000000e+00 : f32
    %max3A_156 = vector.broadcast %max3A_155 : f32 to vector<128x64xf32>
    %max3A_157 = arith.maximumf %add3A_154, %max3A_156 : vector<128x64xf32>
    %dot_general3A_158 = arith.constant dense<0.000000e+00> : vector<128x64xf32>
    %dot_general3A_159 = tpu.matmul %max3A_157, %get3A_141, %dot_general3A_158 {dimension_numbers = #tpu.dot_dimension_numbers<[1], [0], [0], [1], [0, 0, 1, 1], [], []>, transpose_lhs_hint = false} : vector<128x64xf32>, vector<64x64xf32>, vector<128x64xf32> -> vector<128x64xf32>
    %add3A_160 = vector.broadcast %get3A_144 : vector<1x64xf32> to vector<128x64xf32>
    %add3A_161 = arith.addf %dot_general3A_159, %add3A_160 : vector<128x64xf32>
    %max3A_162 = arith.constant 0.000000e+00 : f32
    %max3A_163 = vector.broadcast %max3A_162 : f32 to vector<128x64xf32>
    %max3A_164 = arith.maximumf %add3A_161, %max3A_163 : vector<128x64xf32>
    %dot_general3A_165 = arith.constant dense<0.000000e+00> : vector<128x2xf32>
    %dot_general3A_166 = tpu.matmul %max3A_164, %get3A_147, %dot_general3A_165 {dimension_numbers = #tpu.dot_dimension_numbers<[1], [0], [0], [1], [0, 0, 1, 1], [], []>, transpose_lhs_hint = false} : vector<128x64xf32>, vector<64x2xf32>, vector<128x2xf32> -> vector<128x2xf32>
    %add3A_167 = arith.addf %add3A_130, %dot_general3A_166 : vector<128x2xf32>
    %add3A_168 = vector.broadcast %get3A_150 : vector<1x2xf32> to vector<128x2xf32>
    %add3A_169 = arith.addf %add3A_167, %add3A_168 : vector<128x2xf32>
    %swap3A = arith.constant 0 : index
    %swap3A_170 = arith.constant 0 : index
    %swap3A_171 = vector.load %arg29[%swap3A, %swap3A_170] : memref<128x2xf32, #tpu.memory_space<vmem>>, vector<128x2xf32>
    tpu.vector_store %arg29[%swap3A, %swap3A_170], %add3A_169 {strides = array<i32>} : memref<128x2xf32, #tpu.memory_space<vmem>>, vector<128x2xf32>,
    return
  }
}

</mosaic_0001>

<sc_bundles>
// kernel: kernel.12.cloned.1.call-start
scs
__scs_entry_jumppad:
0x0: {  	(pc) =	sbr.rel $0x88, $3  }
0x1: {  	(tag) =	ssettag $0x0;
	lr =	simm.s32 $0x1  }
0x2: {  	[smem:$0x3F62] =	sst lr;
	_ =	strace $0xD0000000  }
0x3: {  	_ = 	snop  }
0x4: {  	_ = 	snop  }
0x5: {  	_ = 	snop  }
0x6: {  	_ = 	snop  }
0x7: {  	_ = 	snop  }
__scs_overlays_trampoline_lowered:
0x8: {  	[smem:$0x3F71] =	sst s0  }
0x9: {  	[smem:$0x3F72] =	sst s1  }
0xa: {  	[smem:$0x3F73] =	sst s2  }
0xb: {  	[smem:$0x3F74] =	sst s3  }
0xc: {  	[smem:$0x3F75] =	sst s4  }
0xd: {  	[smem:$0x3F76] =	sst s5  }
0xe: {  	[smem:$0x3F77] =	sst s6  }
0xf: {  	[smem:$0x3F78] =	sst s7  }
0x10: {  	[smem:$0x3F79] =	sst s8  }
0x11: {  	[smem:$0x3F7A] =	sst s9;
	s0 =	simm.s32 @!p0 $0x0  }
0x12: {  	s1 =	sld [smem:$0x3F60];
	s0 =	simm.s32 @p0 $0x1  }
0x13: {  	[smem:$0x3F7B] =	sst s0;
	s0 =	simm.s32 @!p1 $0x0  }
0x14: {  	s2 =	sld [smem:$0x3F5F];
	s0 =	simm.s32 @p1 $0x1  }
0x15: {  	[smem:$0x3F7C] =	sst s0;
	s0 =	simm.s32 @!p2 $0x0  }
0x16: {  	s3 =	sld [smem:$0x3FDB];
	s0 =	simm.s32 @p2 $0x1  }
0x17: {  	s4 =	simm.s32 $0x1BF5;
	[smem:$0x3F7E] =	sst s0  }
0x18: {  	s0 =	sld [smem:$0x3F61];
	_ =	swait.ge [sflag:s4], $0x0  }
0x19: {  	s7 =	sld [smem:$0x3F62]  }
0x1a: {  	s8 =	sadd.s32 $0xFFFFE003, lr  }
0x1b: {  	s9 =	sadd.s32 $0xFFFFFEF7, lr;
	s5 =	simm.s32 $0xFFFFFFFF;
	p2 =	slt.u32 s8, $0xFFFFF086  }
0x1c: {  	p1 =	slt.u32 s9, $0xF7A;
	s5 =	simm.s32 @!p2 $0x0  }
0x1d: {  	s5 =	simm.s32 @p1 $0x1;
	p0 =	seq.s32 s7, s2  }
0x1e: {  	s7 =	smul.u32 @!p0 $0xF7A, s2;
	p2 =	seq.s32 @!p0 s5, $0x0  }
0x1f: {  	s9 =	smul.u32 $0xF7A, s1;
	s8 =	simm.s32 @!p0 $0x1BF5;
	p2 =	por !p2, p0  }
0x20: {  	[sflag:s8] =	ssyncset.s32 @!p0 $0xFFFFF086;
	s6 =	sadd.s32 @!p0 s3, s7;
	s7 =	simm.s32 @!p0 $0x108  }
0x21: {  	s3 =	sadd.s32 s3, s9;
	s6 =	sadd.s32 @!p0 $0x88, s6;
	s7 =	simm.s32 @p2 $0x1082  }
0x22: {  	[simem:s7], [sflag:s8] =	dma.local @!p0 [hbm:s6], $0xF7A  }
0x23: {  	s9 =	sor.u32 $0xD0000000, s2;
	s6 =	simm.s32 $0x108;
	_ =	swait.ge @!p0 [sflag:s8], $0x0  }
0x24: {  	s3 =	sadd.s32 $0x88, s3;
	s6 =	simm.s32 @!p1 $0x1082;
	[sflag:s4] =	ssyncset.s32 $0xFFFFF086  }
0x25: {  	[simem:s6], [sflag:s4] =	dma.local [hbm:s3], $0xF7A  }
0x26: {  	[smem:$0x3F62] =	sst s1;
	(tag) =	ssettag s2;
	_ =	strace s9  }
0x27: {  	s1 =	sld [smem:$0x3F72]  }
0x28: {  	s2 =	sld [smem:$0x3F73]  }
0x29: {  	s4 =	sld [smem:$0x3F75]  }
0x2a: {  	p0 =	seq.s32 s5, $0x0;
	s5 =	sld [smem:$0x3F76]  }
0x2b: {  	s6 =	sld [smem:$0x3F77]  }
0x2c: {  	s7 =	sld [smem:$0x3F78]  }
0x2d: {  	s3 =	simm.s32 $0x108;
	s8 =	sld [smem:$0x3F79]  }
0x2e: {  	s3 =	simm.s32 @!p0 $0x1082;
	s9 =	sld [smem:$0x3F7A]  }
0x2f: {  	lr =	sadd.s32 s0, s3;
	s0 =	sld [smem:$0x3F71]  }
0x30: {  	s3 =	sld [smem:$0x3F74]  }
0x31: {  	[smem:$0x3F7D] =	sst s10  }
0x32: {  	s10 =	sld [smem:$0x3F7B];
	_ =	sdelay $0x3  }
0x33: {  	p0 =	seq.s32 s10, $0x1;
	s10 =	sld [smem:$0x3F7D];
	_ =	sdelay $0x3  }
0x34: {  	[smem:$0x3F7D] =	sst s10  }
0x35: {  	s10 =	sld [smem:$0x3F7C];
	_ =	sdelay $0x3  }
0x36: {  	p1 =	seq.s32 s10, $0x1;
	s10 =	sld [smem:$0x3F7D];
	_ =	sdelay $0x3  }
0x37: {  	[smem:$0x3F7D] =	sst s10  }
0x38: {  	s10 =	sld [smem:$0x3F7E]  }
0x39: {  	_ = 	snop;
	(pc) =	sbr.ind lr, $3  }
0x3a: {  	_ = 	snop  }
0x3b: {  	_ = 	snop  }
0x3c: {  	p2 =	seq.s32 s10, $0x1;
	s10 =	sld [smem:$0x3F7D]  }
0x3d: {  	_ =	shalt  }
0x3e: {  	_ =	shalt  }
0x3f: {  	_ =	shalt  }
0x40: {  	_ =	shalt  }
0x41: {  	_ =	shalt  }
0x42: {  	_ =	shalt  }
0x43: {  	_ =	shalt  }
0x44: {  	_ =	shalt  }
0x45: {  	_ =	shalt  }
0x46: {  	_ =	shalt  }
0x47: {  	_ =	shalt  }
0x48: {  	_ =	shalt  }
0x49: {  	_ =	shalt  }
0x4a: {  	_ =	shalt  }
0x4b: {  	_ =	shalt  }
0x4c: {  	_ =	shalt  }
0x4d: {  	_ =	shalt  }
0x4e: {  	_ =	shalt  }
0x4f: {  	_ =	shalt  }
0x50: {  	_ =	shalt  }
0x51: {  	_ =	shalt  }
0x52: {  	_ =	shalt  }
0x53: {  	_ =	shalt  }
0x54: {  	_ =	shalt  }
0x55: {  	_ =	shalt  }
0x56: {  	_ =	shalt  }
0x57: {  	_ =	shalt  }
0x58: {  	_ =	shalt  }
0x59: {  	_ =	shalt  }
0x5a: {  	_ =	shalt  }
0x5b: {  	_ =	shalt  }
0x5c: {  	_ =	shalt  }
0x5d: {  	_ =	shalt  }
0x5e: {  	_ =	shalt  }
0x5f: {  	_ =	shalt  }
0x60: {  	_ =	shalt  }
0x61: {  	_ =	shalt  }
0x62: {  	_ =	shalt  }
0x63: {  	_ =	shalt  }
0x64: {  	_ =	shalt  }
0x65: {  	_ =	shalt  }
0x66: {  	_ =	shalt  }
0x67: {  	_ =	shalt  }
0x68: {  	_ =	shalt  }
0x69: {  	_ =	shalt  }
0x6a: {  	_ =	shalt  }
0x6b: {  	_ =	shalt  }
0x6c: {  	_ =	shalt  }
0x6d: {  	_ =	shalt  }
0x6e: {  	_ =	shalt  }
0x6f: {  	_ =	shalt  }
0x70: {  	_ =	shalt  }
0x71: {  	_ =	shalt  }
0x72: {  	_ =	shalt  }
0x73: {  	_ =	shalt  }
0x74: {  	_ =	shalt  }
0x75: {  	_ =	shalt  }
0x76: {  	_ =	shalt  }
0x77: {  	_ =	shalt  }
0x78: {  	_ =	shalt  }
0x79: {  	_ =	shalt  }
0x7a: {  	_ =	shalt  }
0x7b: {  	_ =	shalt  }
0x7c: {  	_ =	shalt  }
0x7d: {  	_ =	shalt  }
0x7e: {  	_ =	shalt  }
0x7f: {  	_ =	shalt  }
0x80: {  	_ =	shalt  }
0x81: {  	_ =	shalt  }
0x82: {  	_ =	shalt  }
0x83: {  	_ =	shalt  }
0x84: {  	_ =	shalt  }
0x85: {  	_ =	shalt  }
0x86: {  	_ =	shalt  }
0x87: {  	_ =	shalt  }
.Lfunc_end0:
.L_simem_size_0:
called_computation.1_lowered:
.L_overlay_start_0:
0x88: {  	s2 =	sld [smem:$0x3FD9]  }
0x89: {  	s3 =	sld [smem:$0x3FFE];
	_ =	sdelay $0x1  }
0x8a: {  	s1 =	srdreg.scid  }
0x8b: {  	s0 =	sand.u32 $0x1, s1  }
0x8c: {  	s16 =	sshll.u32 s0, $0xA;
	s2 =	sadd.s32 s3, s2  }
0x8d: {  	s2 =	sadd.s32 s2, s16  }
0x8e: {  	[smem:$0x3F89] =	sst s2  }
0x8f: {  	_ = 	snop  }
0x90: {  	(tm) =	ssettm $0x1  }
0x91: {  	s17 =	sld [smem:$0x3FFB];
	_ =	sdelay $0x3  }
0x92: {  	_ =	strace s17  }
0x93: {  	s2 =	sld [smem:$0x3FFC];
	_ =	sdelay $0x3  }
0x94: {  	_ =	strace s2  }
0x95: {  	s2 =	sld [smem:$0x3FFD];
	_ =	sdelay $0x3  }
0x96: {  	_ =	strace s2  }
0x97: {  	_ =	strace $0x8FFFFFFF  }
0x98: {  	s18 =	sld [smem:$0x3FDB];
	_ =	sdelay $0x1  }
0x99: {  	s19 =	simm.s32 $_scs_section_size  }
0x9a: {  	s4 =	simm.s32 $_size__tile_overlayer_lowered;
	s5 =	simm.s32 $_tile_overlayer_lowered  }
0x9b: {  	s22 =	simm.s32 $0x1BFF;
	s21 =	sshll.u32 s5, $0x1;
	s2 =	sadd.s32 s19, s18  }
0x9c: {  	s6 =	simm.s32 $0x0;
	s20 =	sshll.u32 s4, $0x1;
	s4 =	sadd.s32 s21, s2  }
0x9d: {  	[timem:s6], [sflag:s22] =	dma.local [hbm:s4], s20  }
0x9e: {  	_ =	swait.ge [sflag:s22], s20  }
0x9f: {  	s3 =	ssub.s32 $0x0, s20;
	[sflag:s22] =	ssyncset.done $0x0  }
0xa0: {  	[sflag:s22] =	ssyncadd.s32 s3;
	_ =	sdelay $0x1  }
0xa1: {  	s23 =	simm.s32 $0x1B8B  }
0xa2: {  	_ =	swait.ge [sflag:s23], $0x1  }
0xa3: {  	[sflag:s23] =	ssyncset.done $0x0  }
0xa4: {  	s25 =	simm.s32 $0x1B8E;
	s24 =	sld [smem:$0x3FFE];
	[sflag:s23] =	ssyncadd.s32 $0xFFFFFFFF  }
0xa5: {  	s26 =	simm.s32 $execute0_lowered;
	[smem:$0x3FD2] =	sst s25  }
0xa6: {  	s4 =	sshll.u32 s26, $0x1;
	_ =	strace $0x80000049;
	[dreg:$0x1] =	wrdreg $0xFFFFFFFF  }
0xa7: {  	s28 =	simm.s32 $_size_execute0_lowered;
	s2 =	sadd.s32 s2, s4;
	[dreg:$0x0] =	wrdreg $0x0  }
0xa8: {  	s4 =	sshll.u32 s28, $0x1;
	[dreg:$0x2] =	wrdreg s2  }
0xa9: {  	[dreg:$0x3] =	wrdreg s4  }
0xaa: {  	[dreg:$0x4] =	wrdreg $0xC0  }
0xab: {  	_ =	task [dreg:s6], $0x5FFFF  }
0xac: {  	[dreg:$0x1] =	wrdreg $0xFFFFFFFF  }
0xad: {  	[dreg:$0x0] =	wrdreg $0x60  }
0xae: {  	[dreg:$0x2] =	wrdreg s24  }
0xaf: {  	[dreg:$0x3] =	wrdreg $0x6F000  }
0xb0: {  	[dreg:$0x4] =	wrdreg $0x9  }
0xb1: {  	_ =	task.clear_ibuf [dreg:s6], $0x5FFFF;
	_ =	strace $0x90000049  }
0xb2: {  	s29 =	simm.s32 $0x9;
	_ =	strace $0x8000004B  }
0xb3: {  	_ =	swait.ge [sflag:s29], $0x1  }
0xb4: {  	[sflag:s29] =	ssyncadd.s32 $0xFFFFFFFF  }
0xb5: {  	_ =	strace $0x9000004B  }
0xb6: {  	_ =	sfence  }
0xb7: {  	s30 =	sld [smem:$0x0];
	_ =	sdelay $0x2  }
0xb8: {  	s31 =	sshll.u32 s1, $0xD;
	s1 =	sshrl.u32 s1, $0x2  }
0xb9: {  	s3 =	sand.u32 $0x4000, s31;
	s1 =	sadd.s32 s1, s30  }
0xba: {  	s0 =	sor.u32 s3, s0;
	s1 =	sshll.u32 s1, $0x11  }
0xbb: {  	s0 =	sor.u32 s1, s0  }
0xbc: {  	s0 =	sadd.s32 $0x8F2B, s0  }
0xbd: {  	[sflag:s0] =	ssyncadd.remote.s32 $0x1  }
0xbe: {  	_ =	sfence.sel $0xFFFF  }
0xbf: {  	[dreg:$0x0] =	wrdreg $0xFFFFFFFF;
	(pc) =	sbr.abs _section_cstart, $3  }
0xc0: {  	[dreg:$0x1] =	wrdreg $0xFFFFFFFF  }
0xc1: {  	_ =	task.clear_ibuf [dreg:s6], $0x2FFFF;
	_ =	strace $0x9FFFFFFF  }
0xc2: {  	(tm) =	ssettm $0x7FFFFFFF  }
0xc3: {  	_ =	shalt  }
tec
execute0_lowered:
.L_overlay_start_1:
0x0: {  	(tag) =	ssettag $0x1  }
0x1: {  	s6 =	rddreg [dreg:$0x0];
	s1 =	srdreg.scid  }
0x2: {  	s0 =	stileid.u32;
	s2 =	rddreg [dreg:$0x1]  }
0x3: {  	s3 =	simm.s32 $0x0;
	s13 =	simm.s32 $0x80;
	s14 =	simm.s32 $0x4F00  }
0x4: {  	s15 =	simm.s32 $0x1;
	s5 =	sand.u32 $0x1, s1;
	s1 =	rddreg [dreg:$0x2]  }
0x5: {  	s4 =	sshll.u32 s0, $0x1;
	[smem:$0x7FF] =	sst s3;
	s11 =	smul.u32 $0xA000, s0  }
0x6: {  	s31 =	sshll.u32 s0, $0x6;
	s4 =	sor.u32 s5, s4;
	_ =	strace $0x8000004A  }
0x7: {  	s8 =	smul.u32 $0x14000, s5;
	s9 =	ssub.s32 $0x2, s5;
	s5 =	sadd.s32 $0x30200, s6  }
0x8: {  	s7 =	smul.u32 $0x4F0, s4;
	s4 =	sadd.s32 $0x1C800, s6;
	s10 =	sshrl.u32 s9, $0x1  }
0x9: {  	s12 =	sadd.s32 s11, s2;
	s17 =	sshrl.u32 s11, $0x3;
	s11 =	sor.u32 $0x1C02, s31  }
0xa: {  	s8 =	sadd.s32 s8, s6;
	s9 =	ssub.s32 s9, s10;
	s10 =	simm.s32 $0x2780  }
0xb: {  	s12 =	sshrl.u32 s12, $0x3;
	s7 =	sadd.s32 s7, s6;
	s16 =	sadd.s32 $0x31600, s8  }
0xc: {  	s8 =	smax.u32 s9, $0x1;
	s9 =	simm.s32 $0x2;
	s6 =	sadd.s32 $0x12A00, s7  }
0xd: {  	s7 =	sadd.s32 $0x8C00, s7;
	s16 =	sadd.s32 s17, s16;
	s17 =	simm.s32 $0x0  }
.LBB2_1:
0xe: {  	[tilespmem:s3], [sflag:$0x2] =	stream.linear.gather [hbm4b:s6+s3], $0x2780, $0x38;
	[tilespmem:$0x10F00] =	vst v63  }
0xf: {  	_ =	swait.ge [sflag:s9], $0x2780  }
0x10: {  	[sflag:s9] =	ssyncset.done $0x0  }
0x11: {  	[sflag:s9] =	ssyncadd.s32 $0xFFFFD880  }
0x12: {  	[tilespmem:s10], [sflag:$0x2] =	stream.linear.gather [hbm4b:s7+s3], $0x2780, $0x38;
	[tilespmem:$0x10F00] =	vst v63  }
0x13: {  	_ =	swait.ge [sflag:s9], $0x2780  }
0x14: {  	[sflag:s9] =	ssyncset.done $0x0  }
0x15: {  	[sflag:s9] =	ssyncadd.s32 $0xFFFFD880  }
0x16: {  	[spmem:s12], [sflag:s11] =	dma.local [hbm:s5], $0x1400  }
0x17: {  	_ =	swait.ge [sflag:s9], $0x1400  }
0x18: {  	[sflag:s9] =	ssyncset.done $0x0  }
0x19: {  	[sflag:s9] =	ssyncadd.s32 $0xFFFFEC00  }
0x1a: {  	s18 =	simm.s32 $0x0;
	[bflag:$0x0] =	sbarrier.arrive $0xFFFF  }
0x1b: {  	[tilespmem:s14], [sflag:$0x1] =	stream.indirect.gather [hbm4b:s4+s13], $0x40, s18, s13, $0xb8;
	[tilespmem:$0x10F00] =	vst v63  }
0x1c: {  	_ =	swait.ge [sflag:s15], $0x2000  }
0x1d: {  	[sflag:s15] =	ssyncset.done $0x0  }
0x1e: {  	s31 =	simm.s32 $0x2780;
	[sflag:s15] =	ssyncadd.s32 $0xFFFFE000  }
0x1f: {  	[spmem:s2] =	stream.indirect.scatter.add.f32 [tilespmem:s14], [sflag:$0x2], $0x40, s31, s13, $0xb8;
	[tilespmem:$0x10F00] =	vst v63  }
0x20: {  	_ =	swait.ge [sflag:s9], $0x2000  }
0x21: {  	s19 =	simm.s32 $0x400;
	s18 =	simm.s32 $0x200;
	[sflag:s9] =	ssyncset.done $0x0  }
.LBB2_2:
0x22: {  	s20 =	sshra.s32 s18, $0x2  }
0x23: {  	[sflag:s9] =	ssyncadd.s32 $0xFFFFE000;
	s18 =	smov.u32 s19;
	s21 =	sadd.s32 $0x200, s19  }
0x24: {  	[tilespmem:s14], [sflag:$0x1] =	stream.indirect.gather [hbm4b:s4+s13], $0x40, s20, s13, $0xb8;
	[tilespmem:$0x10F00] =	vst v63  }
0x25: {  	p0 =	sne.s32 s19, $0x9C00;
	_ =	swait.ge [sflag:s15], $0x2000  }
.Ltmp0:
0x26: {  	[sflag:s15] =	ssyncset.done $0x0;
	(pc) =	sbr.rel @p0 .LBB2_2-.Ltmp0, $4  }
0x27: {  	s19 =	sadd.s32 $0x2780, s20;
	[sflag:s15] =	ssyncadd.s32 $0xFFFFE000  }
0x28: {  	[spmem:s2] =	stream.indirect.scatter.add.f32 [tilespmem:s14], [sflag:$0x2], $0x40, s19, s13, $0xb8;
	[tilespmem:$0x10F00] =	vst v63  }
0x29: {  	_ =	swait.ge [sflag:s9], $0x2000  }
0x2a: {  	s19 =	smov.u32 s21;
	[sflag:s9] =	ssyncset.done $0x0  }
0x2b: {  	s18 =	sshra.s32 s18, $0x2;
	[sflag:s9] =	ssyncadd.s32 $0xFFFFE000  }
0x2c: {  	[tilespmem:s14], [sflag:$0x1] =	stream.indirect.gather [hbm4b:s4+s13], $0x40, s18, s13, $0xb8;
	[tilespmem:$0x10F00] =	vst v63  }
0x2d: {  	_ =	swait.ge [sflag:s15], $0x2000  }
0x2e: {  	[sflag:s15] =	ssyncset.done $0x0  }
0x2f: {  	s18 =	sadd.s32 $0x2780, s18;
	[sflag:s15] =	ssyncadd.s32 $0xFFFFE000  }
0x30: {  	[spmem:s2] =	stream.indirect.scatter.add.f32 [tilespmem:s14], [sflag:$0x2], $0x40, s18, s13, $0xb8;
	[tilespmem:$0x10F00] =	vst v63  }
0x31: {  	_ =	swait.ge [sflag:s9], $0x2000  }
0x32: {  	s17 =	sadd.s32 $0x1, s17;
	[sflag:s9] =	ssyncset.done $0x0  }
0x33: {  	p0 =	sne.s32 s17, s8;
	[sflag:s9] =	ssyncadd.s32 $0xFFFFE000  }
.Ltmp1:
0x34: {  	[bflag:$0x0] =	sbarrier.arrive $0xFFFF;
	(pc) =	sbr.rel @p0 .LBB2_1-.Ltmp1, $4  }
0x35: {  	[hbm:s16], [sflag:s11] =	dma.local [spmem:s12], $0x1400  }
0x36: {  	_ =	swait.ge [sflag:s9], $0x1400  }
0x37: {  	[sflag:s9] =	ssyncset.done $0x0  }
0x38: {  	[sflag:s9] =	ssyncadd.s32 $0xFFFFEC00  }
0x39: {  	_ =	sfence.sel $0x180000  }
0x3a: {  	[bflag:$0x0] =	sbarrier.arrive $0xFFFF  }
0x3b: {  	p0 =	sne.s32 s0, $0x0;
	_ =	strace $0x9000004A  }
0x3c: {  	s0 =	sadd.s32 @!p0 $0x100000, s1;
	[bflag:$0x2] =	sbarrier.arrive $0xFFFF  }
0x3d: {  	[sflag:s0] =	ssyncadd.tile.s32 @!p0 $0x1;
	_ =	shalt  }
.Lfunc_end2:
_tile_overlayer_lowered:
.L_overlay_start_2:
0x3e: {  	(tag) =	ssettag $0x2  }
0x3f: {  	s0 =	rddreg [dreg:$0x0];
	s2 =	stileid.u32  }
0x40: {  	s1 =	rddreg [dreg:$0x1];
	p0 =	sne.s32 s2, $0x0  }
0x41: {  	s3 =	rddreg [dreg:$0x2];
	[bflag:$0x3] =	sbarrier.arrive $0xFFFF;
	s2 =	simm.s32 @!p0 $0x1C02  }
0x42: {  	[timem:s3], [sflag:s2] =	dma.local @!p0 [hbm:s0], s1  }
0x43: {  	s0 =	simm.s32 @!p0 $0x2  }
0x44: {  	_ =	swait.ge @!p0 [sflag:s0], s1  }
0x45: {  	s1 =	ssub.s32 @!p0 $0x0, s1;
	[sflag:s0] =	ssyncset.done @!p0 $0x0  }
0x46: {  	[sflag:s0] =	ssyncadd.s32 @!p0 s1  }
0x47: {  	[bflag:$0x3] =	sbarrier.arrive $0xFFFF  }
0x48: {  	_ =	shalt  }

// kernel: kernel.15.cloned.1.call-start
scs
__scs_entry_jumppad:
0x0: {  	(pc) =	sbr.rel $0x88, $3  }
0x1: {  	(tag) =	ssettag $0x0;
	lr =	simm.s32 $0x1  }
0x2: {  	[smem:$0x3F62] =	sst lr;
	_ =	strace $0xD0000000  }
0x3: {  	_ = 	snop  }
0x4: {  	_ = 	snop  }
0x5: {  	_ = 	snop  }
0x6: {  	_ = 	snop  }
0x7: {  	_ = 	snop  }
__scs_overlays_trampoline_lowered:
0x8: {  	[smem:$0x3F71] =	sst s0  }
0x9: {  	[smem:$0x3F72] =	sst s1  }
0xa: {  	[smem:$0x3F73] =	sst s2  }
0xb: {  	[smem:$0x3F74] =	sst s3  }
0xc: {  	[smem:$0x3F75] =	sst s4  }
0xd: {  	[smem:$0x3F76] =	sst s5  }
0xe: {  	[smem:$0x3F77] =	sst s6  }
0xf: {  	[smem:$0x3F78] =	sst s7  }
0x10: {  	[smem:$0x3F79] =	sst s8  }
0x11: {  	[smem:$0x3F7A] =	sst s9;
	s0 =	simm.s32 @!p0 $0x0  }
0x12: {  	s1 =	sld [smem:$0x3F60];
	s0 =	simm.s32 @p0 $0x1  }
0x13: {  	[smem:$0x3F7B] =	sst s0;
	s0 =	simm.s32 @!p1 $0x0  }
0x14: {  	s2 =	sld [smem:$0x3F5F];
	s0 =	simm.s32 @p1 $0x1  }
0x15: {  	[smem:$0x3F7C] =	sst s0;
	s0 =	simm.s32 @!p2 $0x0  }
0x16: {  	s3 =	sld [smem:$0x3FDB];
	s0 =	simm.s32 @p2 $0x1  }
0x17: {  	s4 =	simm.s32 $0x1BF5;
	[smem:$0x3F7E] =	sst s0  }
0x18: {  	s0 =	sld [smem:$0x3F61];
	_ =	swait.ge [sflag:s4], $0x0  }
0x19: {  	s7 =	sld [smem:$0x3F62]  }
0x1a: {  	s8 =	sadd.s32 $0xFFFFE003, lr  }
0x1b: {  	s9 =	sadd.s32 $0xFFFFFEF7, lr;
	s5 =	simm.s32 $0xFFFFFFFF;
	p2 =	slt.u32 s8, $0xFFFFF086  }
0x1c: {  	p1 =	slt.u32 s9, $0xF7A;
	s5 =	simm.s32 @!p2 $0x0  }
0x1d: {  	s5 =	simm.s32 @p1 $0x1;
	p0 =	seq.s32 s7, s2  }
0x1e: {  	s7 =	smul.u32 @!p0 $0xF7A, s2;
	p2 =	seq.s32 @!p0 s5, $0x0  }
0x1f: {  	s9 =	smul.u32 $0xF7A, s1;
	s8 =	simm.s32 @!p0 $0x1BF5;
	p2 =	por !p2, p0  }
0x20: {  	[sflag:s8] =	ssyncset.s32 @!p0 $0xFFFFF086;
	s6 =	sadd.s32 @!p0 s3, s7;
	s7 =	simm.s32 @!p0 $0x108  }
0x21: {  	s3 =	sadd.s32 s3, s9;
	s6 =	sadd.s32 @!p0 $0x88, s6;
	s7 =	simm.s32 @p2 $0x1082  }
0x22: {  	[simem:s7], [sflag:s8] =	dma.local @!p0 [hbm:s6], $0xF7A  }
0x23: {  	s9 =	sor.u32 $0xD0000000, s2;
	s6 =	simm.s32 $0x108;
	_ =	swait.ge @!p0 [sflag:s8], $0x0  }
0x24: {  	s3 =	sadd.s32 $0x88, s3;
	s6 =	simm.s32 @!p1 $0x1082;
	[sflag:s4] =	ssyncset.s32 $0xFFFFF086  }
0x25: {  	[simem:s6], [sflag:s4] =	dma.local [hbm:s3], $0xF7A  }
0x26: {  	[smem:$0x3F62] =	sst s1;
	(tag) =	ssettag s2;
	_ =	strace s9  }
0x27: {  	s1 =	sld [smem:$0x3F72]  }
0x28: {  	s2 =	sld [smem:$0x3F73]  }
0x29: {  	s4 =	sld [smem:$0x3F75]  }
0x2a: {  	p0 =	seq.s32 s5, $0x0;
	s5 =	sld [smem:$0x3F76]  }
0x2b: {  	s6 =	sld [smem:$0x3F77]  }
0x2c: {  	s7 =	sld [smem:$0x3F78]  }
0x2d: {  	s3 =	simm.s32 $0x108;
	s8 =	sld [smem:$0x3F79]  }
0x2e: {  	s3 =	simm.s32 @!p0 $0x1082;
	s9 =	sld [smem:$0x3F7A]  }
0x2f: {  	lr =	sadd.s32 s0, s3;
	s0 =	sld [smem:$0x3F71]  }
0x30: {  	s3 =	sld [smem:$0x3F74]  }
0x31: {  	[smem:$0x3F7D] =	sst s10  }
0x32: {  	s10 =	sld [smem:$0x3F7B];
	_ =	sdelay $0x3  }
0x33: {  	p0 =	seq.s32 s10, $0x1;
	s10 =	sld [smem:$0x3F7D];
	_ =	sdelay $0x3  }
0x34: {  	[smem:$0x3F7D] =	sst s10  }
0x35: {  	s10 =	sld [smem:$0x3F7C];
	_ =	sdelay $0x3  }
0x36: {  	p1 =	seq.s32 s10, $0x1;
	s10 =	sld [smem:$0x3F7D];
	_ =	sdelay $0x3  }
0x37: {  	[smem:$0x3F7D] =	sst s10  }
0x38: {  	s10 =	sld [smem:$0x3F7E]  }
0x39: {  	_ = 	snop;
	(pc) =	sbr.ind lr, $3  }
0x3a: {  	_ = 	snop  }
0x3b: {  	_ = 	snop  }
0x3c: {  	p2 =	seq.s32 s10, $0x1;
	s10 =	sld [smem:$0x3F7D]  }
0x3d: {  	_ =	shalt  }
0x3e: {  	_ =	shalt  }
0x3f: {  	_ =	shalt  }
0x40: {  	_ =	shalt  }
0x41: {  	_ =	shalt  }
0x42: {  	_ =	shalt  }
0x43: {  	_ =	shalt  }
0x44: {  	_ =	shalt  }
0x45: {  	_ =	shalt  }
0x46: {  	_ =	shalt  }
0x47: {  	_ =	shalt  }
0x48: {  	_ =	shalt  }
0x49: {  	_ =	shalt  }
0x4a: {  	_ =	shalt  }
0x4b: {  	_ =	shalt  }
0x4c: {  	_ =	shalt  }
0x4d: {  	_ =	shalt  }
0x4e: {  	_ =	shalt  }
0x4f: {  	_ =	shalt  }
0x50: {  	_ =	shalt  }
0x51: {  	_ =	shalt  }
0x52: {  	_ =	shalt  }
0x53: {  	_ =	shalt  }
0x54: {  	_ =	shalt  }
0x55: {  	_ =	shalt  }
0x56: {  	_ =	shalt  }
0x57: {  	_ =	shalt  }
0x58: {  	_ =	shalt  }
0x59: {  	_ =	shalt  }
0x5a: {  	_ =	shalt  }
0x5b: {  	_ =	shalt  }
0x5c: {  	_ =	shalt  }
0x5d: {  	_ =	shalt  }
0x5e: {  	_ =	shalt  }
0x5f: {  	_ =	shalt  }
0x60: {  	_ =	shalt  }
0x61: {  	_ =	shalt  }
0x62: {  	_ =	shalt  }
0x63: {  	_ =	shalt  }
0x64: {  	_ =	shalt  }
0x65: {  	_ =	shalt  }
0x66: {  	_ =	shalt  }
0x67: {  	_ =	shalt  }
0x68: {  	_ =	shalt  }
0x69: {  	_ =	shalt  }
0x6a: {  	_ =	shalt  }
0x6b: {  	_ =	shalt  }
0x6c: {  	_ =	shalt  }
0x6d: {  	_ =	shalt  }
0x6e: {  	_ =	shalt  }
0x6f: {  	_ =	shalt  }
0x70: {  	_ =	shalt  }
0x71: {  	_ =	shalt  }
0x72: {  	_ =	shalt  }
0x73: {  	_ =	shalt  }
0x74: {  	_ =	shalt  }
0x75: {  	_ =	shalt  }
0x76: {  	_ =	shalt  }
0x77: {  	_ =	shalt  }
0x78: {  	_ =	shalt  }
0x79: {  	_ =	shalt  }
0x7a: {  	_ =	shalt  }
0x7b: {  	_ =	shalt  }
0x7c: {  	_ =	shalt  }
0x7d: {  	_ =	shalt  }
0x7e: {  	_ =	shalt  }
0x7f: {  	_ =	shalt  }
0x80: {  	_ =	shalt  }
0x81: {  	_ =	shalt  }
0x82: {  	_ =	shalt  }
0x83: {  	_ =	shalt  }
0x84: {  	_ =	shalt  }
0x85: {  	_ =	shalt  }
0x86: {  	_ =	shalt  }
0x87: {  	_ =	shalt  }
.Lfunc_end0:
.L_simem_size_0:
called_computation.2_lowered:
.L_overlay_start_0:
0x88: {  	s2 =	sld [smem:$0x3FD9]  }
0x89: {  	s3 =	sld [smem:$0x3FFE];
	_ =	sdelay $0x1  }
0x8a: {  	s1 =	srdreg.scid  }
0x8b: {  	s0 =	sand.u32 $0x1, s1  }
0x8c: {  	s16 =	sshll.u32 s0, $0xA;
	s2 =	sadd.s32 s3, s2  }
0x8d: {  	s2 =	sadd.s32 s2, s16  }
0x8e: {  	[smem:$0x3F89] =	sst s2  }
0x8f: {  	_ = 	snop  }
0x90: {  	(tm) =	ssettm $0x1  }
0x91: {  	s17 =	sld [smem:$0x3FFB];
	_ =	sdelay $0x3  }
0x92: {  	_ =	strace s17  }
0x93: {  	s2 =	sld [smem:$0x3FFC];
	_ =	sdelay $0x3  }
0x94: {  	_ =	strace s2  }
0x95: {  	s2 =	sld [smem:$0x3FFD];
	_ =	sdelay $0x3  }
0x96: {  	_ =	strace s2  }
0x97: {  	_ =	strace $0x8FFFFFFF  }
0x98: {  	s18 =	sld [smem:$0x3FDB];
	_ =	sdelay $0x1  }
0x99: {  	s19 =	simm.s32 $_scs_section_size  }
0x9a: {  	s4 =	simm.s32 $_size__tile_overlayer_lowered;
	s5 =	simm.s32 $_tile_overlayer_lowered  }
0x9b: {  	s22 =	simm.s32 $0x1BFF;
	s21 =	sshll.u32 s5, $0x1;
	s2 =	sadd.s32 s19, s18  }
0x9c: {  	s6 =	simm.s32 $0x0;
	s20 =	sshll.u32 s4, $0x1;
	s4 =	sadd.s32 s21, s2  }
0x9d: {  	[timem:s6], [sflag:s22] =	dma.local [hbm:s4], s20  }
0x9e: {  	_ =	swait.ge [sflag:s22], s20  }
0x9f: {  	s3 =	ssub.s32 $0x0, s20;
	[sflag:s22] =	ssyncset.done $0x0  }
0xa0: {  	[sflag:s22] =	ssyncadd.s32 s3;
	_ =	sdelay $0x1  }
0xa1: {  	s23 =	simm.s32 $0x1B8B  }
0xa2: {  	_ =	swait.ge [sflag:s23], $0x1  }
0xa3: {  	[sflag:s23] =	ssyncset.done $0x0  }
0xa4: {  	s25 =	simm.s32 $0x1B8E;
	s24 =	sld [smem:$0x3FFE];
	[sflag:s23] =	ssyncadd.s32 $0xFFFFFFFF  }
0xa5: {  	s26 =	simm.s32 $execute0_lowered;
	[smem:$0x3FD2] =	sst s25  }
0xa6: {  	s4 =	sshll.u32 s26, $0x1;
	_ =	strace $0x8000004C;
	[dreg:$0x1] =	wrdreg $0xFFFFFFFF  }
0xa7: {  	s28 =	simm.s32 $_size_execute0_lowered;
	s2 =	sadd.s32 s2, s4;
	[dreg:$0x0] =	wrdreg $0x0  }
0xa8: {  	s4 =	sshll.u32 s28, $0x1;
	[dreg:$0x2] =	wrdreg s2  }
0xa9: {  	[dreg:$0x3] =	wrdreg s4  }
0xaa: {  	[dreg:$0x4] =	wrdreg $0xC0  }
0xab: {  	_ =	task [dreg:s6], $0x5FFFF  }
0xac: {  	[dreg:$0x1] =	wrdreg $0xFFFFFFFF  }
0xad: {  	[dreg:$0x0] =	wrdreg $0x60  }
0xae: {  	[dreg:$0x2] =	wrdreg s24  }
0xaf: {  	[dreg:$0x3] =	wrdreg $0x6F000  }
0xb0: {  	[dreg:$0x4] =	wrdreg $0x9  }
0xb1: {  	_ =	task.clear_ibuf [dreg:s6], $0x5FFFF;
	_ =	strace $0x9000004C  }
0xb2: {  	s29 =	simm.s32 $0x9;
	_ =	strace $0x8000004E  }
0xb3: {  	_ =	swait.ge [sflag:s29], $0x1  }
0xb4: {  	[sflag:s29] =	ssyncadd.s32 $0xFFFFFFFF  }
0xb5: {  	_ =	strace $0x9000004E  }
0xb6: {  	_ =	sfence  }
0xb7: {  	s30 =	sld [smem:$0x0];
	_ =	sdelay $0x2  }
0xb8: {  	s31 =	sshll.u32 s1, $0xD;
	s1 =	sshrl.u32 s1, $0x2  }
0xb9: {  	s3 =	sand.u32 $0x4000, s31;
	s1 =	sadd.s32 s1, s30  }
0xba: {  	s0 =	sor.u32 s3, s0;
	s1 =	sshll.u32 s1, $0x11  }
0xbb: {  	s0 =	sor.u32 s1, s0  }
0xbc: {  	s0 =	sadd.s32 $0x8F2B, s0  }
0xbd: {  	[sflag:s0] =	ssyncadd.remote.s32 $0x1  }
0xbe: {  	_ =	sfence.sel $0xFFFF  }
0xbf: {  	[dreg:$0x0] =	wrdreg $0xFFFFFFFF;
	(pc) =	sbr.abs _section_cstart, $3  }
0xc0: {  	[dreg:$0x1] =	wrdreg $0xFFFFFFFF  }
0xc1: {  	_ =	task.clear_ibuf [dreg:s6], $0x2FFFF;
	_ =	strace $0x9FFFFFFF  }
0xc2: {  	(tm) =	ssettm $0x7FFFFFFF  }
0xc3: {  	_ =	shalt  }
tec
execute0_lowered:
.L_overlay_start_1:
0x0: {  	(tag) =	ssettag $0x1  }
0x1: {  	s6 =	rddreg [dreg:$0x0];
	s1 =	srdreg.scid  }
0x2: {  	s0 =	stileid.u32;
	s2 =	rddreg [dreg:$0x1]  }
0x3: {  	s3 =	simm.s32 $0x0;
	s13 =	simm.s32 $0x80;
	s14 =	simm.s32 $0x4F00  }
0x4: {  	s15 =	simm.s32 $0x1;
	s5 =	sand.u32 $0x1, s1;
	s1 =	rddreg [dreg:$0x2]  }
0x5: {  	s4 =	sshll.u32 s0, $0x1;
	[smem:$0x7FF] =	sst s3;
	s11 =	smul.u32 $0xA000, s0  }
0x6: {  	s31 =	sshll.u32 s0, $0x6;
	s4 =	sor.u32 s5, s4;
	_ =	strace $0x8000004D  }
0x7: {  	s8 =	smul.u32 $0x14000, s5;
	s9 =	ssub.s32 $0x2, s5;
	s5 =	sadd.s32 $0x30200, s6  }
0x8: {  	s7 =	smul.u32 $0x4F0, s4;
	s4 =	sadd.s32 $0x1C800, s6;
	s10 =	sshrl.u32 s9, $0x1  }
0x9: {  	s12 =	sadd.s32 s11, s2;
	s17 =	sshrl.u32 s11, $0x3;
	s11 =	sor.u32 $0x1C02, s31  }
0xa: {  	s8 =	sadd.s32 s8, s6;
	s9 =	ssub.s32 s9, s10;
	s10 =	simm.s32 $0x2780  }
0xb: {  	s12 =	sshrl.u32 s12, $0x3;
	s7 =	sadd.s32 s7, s6;
	s16 =	sadd.s32 $0x31600, s8  }
0xc: {  	s8 =	smax.u32 s9, $0x1;
	s9 =	simm.s32 $0x2;
	s6 =	sadd.s32 $0x12A00, s7  }
0xd: {  	s7 =	sadd.s32 $0x8C00, s7;
	s16 =	sadd.s32 s17, s16;
	s17 =	simm.s32 $0x0  }
.LBB2_1:
0xe: {  	[tilespmem:s3], [sflag:$0x2] =	stream.linear.gather [hbm4b:s6+s3], $0x2780, $0x38;
	[tilespmem:$0x10F00] =	vst v63  }
0xf: {  	_ =	swait.ge [sflag:s9], $0x2780  }
0x10: {  	[sflag:s9] =	ssyncset.done $0x0  }
0x11: {  	[sflag:s9] =	ssyncadd.s32 $0xFFFFD880  }
0x12: {  	[tilespmem:s10], [sflag:$0x2] =	stream.linear.gather [hbm4b:s7+s3], $0x2780, $0x38;
	[tilespmem:$0x10F00] =	vst v63  }
0x13: {  	_ =	swait.ge [sflag:s9], $0x2780  }
0x14: {  	[sflag:s9] =	ssyncset.done $0x0  }
0x15: {  	[sflag:s9] =	ssyncadd.s32 $0xFFFFD880  }
0x16: {  	[spmem:s12], [sflag:s11] =	dma.local [hbm:s5], $0x1400  }
0x17: {  	_ =	swait.ge [sflag:s9], $0x1400  }
0x18: {  	[sflag:s9] =	ssyncset.done $0x0  }
0x19: {  	[sflag:s9] =	ssyncadd.s32 $0xFFFFEC00  }
0x1a: {  	s18 =	simm.s32 $0x0;
	[bflag:$0x0] =	sbarrier.arrive $0xFFFF  }
0x1b: {  	[tilespmem:s14], [sflag:$0x1] =	stream.indirect.gather [hbm4b:s4+s13], $0x40, s18, s13, $0xb8;
	[tilespmem:$0x10F00] =	vst v63  }
0x1c: {  	_ =	swait.ge [sflag:s15], $0x2000  }
0x1d: {  	[sflag:s15] =	ssyncset.done $0x0  }
0x1e: {  	s31 =	simm.s32 $0x2780;
	[sflag:s15] =	ssyncadd.s32 $0xFFFFE000  }
0x1f: {  	[spmem:s2] =	stream.indirect.scatter.add.f32 [tilespmem:s14], [sflag:$0x2], $0x40, s31, s13, $0xb8;
	[tilespmem:$0x10F00] =	vst v63  }
0x20: {  	_ =	swait.ge [sflag:s9], $0x2000  }
0x21: {  	s19 =	simm.s32 $0x400;
	s18 =	simm.s32 $0x200;
	[sflag:s9] =	ssyncset.done $0x0  }
.LBB2_2:
0x22: {  	s20 =	sshra.s32 s18, $0x2  }
0x23: {  	[sflag:s9] =	ssyncadd.s32 $0xFFFFE000;
	s18 =	smov.u32 s19;
	s21 =	sadd.s32 $0x200, s19  }
0x24: {  	[tilespmem:s14], [sflag:$0x1] =	stream.indirect.gather [hbm4b:s4+s13], $0x40, s20, s13, $0xb8;
	[tilespmem:$0x10F00] =	vst v63  }
0x25: {  	p0 =	sne.s32 s19, $0x9C00;
	_ =	swait.ge [sflag:s15], $0x2000  }
.Ltmp0:
0x26: {  	[sflag:s15] =	ssyncset.done $0x0;
	(pc) =	sbr.rel @p0 .LBB2_2-.Ltmp0, $4  }
0x27: {  	s19 =	sadd.s32 $0x2780, s20;
	[sflag:s15] =	ssyncadd.s32 $0xFFFFE000  }
0x28: {  	[spmem:s2] =	stream.indirect.scatter.add.f32 [tilespmem:s14], [sflag:$0x2], $0x40, s19, s13, $0xb8;
	[tilespmem:$0x10F00] =	vst v63  }
0x29: {  	_ =	swait.ge [sflag:s9], $0x2000  }
0x2a: {  	s19 =	smov.u32 s21;
	[sflag:s9] =	ssyncset.done $0x0  }
0x2b: {  	s18 =	sshra.s32 s18, $0x2;
	[sflag:s9] =	ssyncadd.s32 $0xFFFFE000  }
0x2c: {  	[tilespmem:s14], [sflag:$0x1] =	stream.indirect.gather [hbm4b:s4+s13], $0x40, s18, s13, $0xb8;
	[tilespmem:$0x10F00] =	vst v63  }
0x2d: {  	_ =	swait.ge [sflag:s15], $0x2000  }
0x2e: {  	[sflag:s15] =	ssyncset.done $0x0  }
0x2f: {  	s18 =	sadd.s32 $0x2780, s18;
	[sflag:s15] =	ssyncadd.s32 $0xFFFFE000  }
0x30: {  	[spmem:s2] =	stream.indirect.scatter.add.f32 [tilespmem:s14], [sflag:$0x2], $0x40, s18, s13, $0xb8;
	[tilespmem:$0x10F00] =	vst v63  }
0x31: {  	_ =	swait.ge [sflag:s9], $0x2000  }
0x32: {  	s17 =	sadd.s32 $0x1, s17;
	[sflag:s9] =	ssyncset.done $0x0  }
0x33: {  	p0 =	sne.s32 s17, s8;
	[sflag:s9] =	ssyncadd.s32 $0xFFFFE000  }
.Ltmp1:
0x34: {  	[bflag:$0x0] =	sbarrier.arrive $0xFFFF;
	(pc) =	sbr.rel @p0 .LBB2_1-.Ltmp1, $4  }
0x35: {  	[hbm:s16], [sflag:s11] =	dma.local [spmem:s12], $0x1400  }
0x36: {  	_ =	swait.ge [sflag:s9], $0x1400  }
0x37: {  	[sflag:s9] =	ssyncset.done $0x0  }
0x38: {  	[sflag:s9] =	ssyncadd.s32 $0xFFFFEC00  }
0x39: {  	_ =	sfence.sel $0x180000  }
0x3a: {  	[bflag:$0x0] =	sbarrier.arrive $0xFFFF  }
0x3b: {  	p0 =	sne.s32 s0, $0x0;
	_ =	strace $0x9000004D  }
0x3c: {  	s0 =	sadd.s32 @!p0 $0x100000, s1;
	[bflag:$0x2] =	sbarrier.arrive $0xFFFF  }
0x3d: {  	[sflag:s0] =	ssyncadd.tile.s32 @!p0 $0x1;
	_ =	shalt  }
.Lfunc_end2:
_tile_overlayer_lowered:
.L_overlay_start_2:
0x3e: {  	(tag) =	ssettag $0x2  }
0x3f: {  	s0 =	rddreg [dreg:$0x0];
	s2 =	stileid.u32  }
0x40: {  	s1 =	rddreg [dreg:$0x1];
	p0 =	sne.s32 s2, $0x0  }
0x41: {  	s3 =	rddreg [dreg:$0x2];
	[bflag:$0x3] =	sbarrier.arrive $0xFFFF;
	s2 =	simm.s32 @!p0 $0x1C02  }
0x42: {  	[timem:s3], [sflag:s2] =	dma.local @!p0 [hbm:s0], s1  }
0x43: {  	s0 =	simm.s32 @!p0 $0x2  }
0x44: {  	_ =	swait.ge @!p0 [sflag:s0], s1  }
0x45: {  	s1 =	ssub.s32 @!p0 $0x0, s1;
	[sflag:s0] =	ssyncset.done @!p0 $0x0  }
0x46: {  	[sflag:s0] =	ssyncadd.s32 @!p0 s1  }
0x47: {  	[bflag:$0x3] =	sbarrier.arrive $0xFFFF  }
0x48: {  	_ =	shalt  }

// kernel: kernel.9.cloned.1.call-start
scs
__scs_entry_jumppad:
0x0: {  	(pc) =	sbr.rel $0x88, $3  }
0x1: {  	(tag) =	ssettag $0x0;
	lr =	simm.s32 $0x1  }
0x2: {  	[smem:$0x3F62] =	sst lr;
	_ =	strace $0xD0000000  }
0x3: {  	_ = 	snop  }
0x4: {  	_ = 	snop  }
0x5: {  	_ = 	snop  }
0x6: {  	_ = 	snop  }
0x7: {  	_ = 	snop  }
__scs_overlays_trampoline_lowered:
0x8: {  	[smem:$0x3F71] =	sst s0  }
0x9: {  	[smem:$0x3F72] =	sst s1  }
0xa: {  	[smem:$0x3F73] =	sst s2  }
0xb: {  	[smem:$0x3F74] =	sst s3  }
0xc: {  	[smem:$0x3F75] =	sst s4  }
0xd: {  	[smem:$0x3F76] =	sst s5  }
0xe: {  	[smem:$0x3F77] =	sst s6  }
0xf: {  	[smem:$0x3F78] =	sst s7  }
0x10: {  	[smem:$0x3F79] =	sst s8  }
0x11: {  	[smem:$0x3F7A] =	sst s9;
	s0 =	simm.s32 @!p0 $0x0  }
0x12: {  	s1 =	sld [smem:$0x3F60];
	s0 =	simm.s32 @p0 $0x1  }
0x13: {  	[smem:$0x3F7B] =	sst s0;
	s0 =	simm.s32 @!p1 $0x0  }
0x14: {  	s2 =	sld [smem:$0x3F5F];
	s0 =	simm.s32 @p1 $0x1  }
0x15: {  	[smem:$0x3F7C] =	sst s0;
	s0 =	simm.s32 @!p2 $0x0  }
0x16: {  	s3 =	sld [smem:$0x3FDB];
	s0 =	simm.s32 @p2 $0x1  }
0x17: {  	s4 =	simm.s32 $0x1BF5;
	[smem:$0x3F7E] =	sst s0  }
0x18: {  	s0 =	sld [smem:$0x3F61];
	_ =	swait.ge [sflag:s4], $0x0  }
0x19: {  	s7 =	sld [smem:$0x3F62]  }
0x1a: {  	s8 =	sadd.s32 $0xFFFFE003, lr  }
0x1b: {  	s9 =	sadd.s32 $0xFFFFFEF7, lr;
	s5 =	simm.s32 $0xFFFFFFFF;
	p2 =	slt.u32 s8, $0xFFFFF086  }
0x1c: {  	p1 =	slt.u32 s9, $0xF7A;
	s5 =	simm.s32 @!p2 $0x0  }
0x1d: {  	s5 =	simm.s32 @p1 $0x1;
	p0 =	seq.s32 s7, s2  }
0x1e: {  	s7 =	smul.u32 @!p0 $0xF7A, s2;
	p2 =	seq.s32 @!p0 s5, $0x0  }
0x1f: {  	s9 =	smul.u32 $0xF7A, s1;
	s8 =	simm.s32 @!p0 $0x1BF5;
	p2 =	por !p2, p0  }
0x20: {  	[sflag:s8] =	ssyncset.s32 @!p0 $0xFFFFF086;
	s6 =	sadd.s32 @!p0 s3, s7;
	s7 =	simm.s32 @!p0 $0x108  }
0x21: {  	s3 =	sadd.s32 s3, s9;
	s6 =	sadd.s32 @!p0 $0x88, s6;
	s7 =	simm.s32 @p2 $0x1082  }
0x22: {  	[simem:s7], [sflag:s8] =	dma.local @!p0 [hbm:s6], $0xF7A  }
0x23: {  	s9 =	sor.u32 $0xD0000000, s2;
	s6 =	simm.s32 $0x108;
	_ =	swait.ge @!p0 [sflag:s8], $0x0  }
0x24: {  	s3 =	sadd.s32 $0x88, s3;
	s6 =	simm.s32 @!p1 $0x1082;
	[sflag:s4] =	ssyncset.s32 $0xFFFFF086  }
0x25: {  	[simem:s6], [sflag:s4] =	dma.local [hbm:s3], $0xF7A  }
0x26: {  	[smem:$0x3F62] =	sst s1;
	(tag) =	ssettag s2;
	_ =	strace s9  }
0x27: {  	s1 =	sld [smem:$0x3F72]  }
0x28: {  	s2 =	sld [smem:$0x3F73]  }
0x29: {  	s4 =	sld [smem:$0x3F75]  }
0x2a: {  	p0 =	seq.s32 s5, $0x0;
	s5 =	sld [smem:$0x3F76]  }
0x2b: {  	s6 =	sld [smem:$0x3F77]  }
0x2c: {  	s7 =	sld [smem:$0x3F78]  }
0x2d: {  	s3 =	simm.s32 $0x108;
	s8 =	sld [smem:$0x3F79]  }
0x2e: {  	s3 =	simm.s32 @!p0 $0x1082;
	s9 =	sld [smem:$0x3F7A]  }
0x2f: {  	lr =	sadd.s32 s0, s3;
	s0 =	sld [smem:$0x3F71]  }
0x30: {  	s3 =	sld [smem:$0x3F74]  }
0x31: {  	[smem:$0x3F7D] =	sst s10  }
0x32: {  	s10 =	sld [smem:$0x3F7B];
	_ =	sdelay $0x3  }
0x33: {  	p0 =	seq.s32 s10, $0x1;
	s10 =	sld [smem:$0x3F7D];
	_ =	sdelay $0x3  }
0x34: {  	[smem:$0x3F7D] =	sst s10  }
0x35: {  	s10 =	sld [smem:$0x3F7C];
	_ =	sdelay $0x3  }
0x36: {  	p1 =	seq.s32 s10, $0x1;
	s10 =	sld [smem:$0x3F7D];
	_ =	sdelay $0x3  }
0x37: {  	[smem:$0x3F7D] =	sst s10  }
0x38: {  	s10 =	sld [smem:$0x3F7E]  }
0x39: {  	_ = 	snop;
	(pc) =	sbr.ind lr, $3  }
0x3a: {  	_ = 	snop  }
0x3b: {  	_ = 	snop  }
0x3c: {  	p2 =	seq.s32 s10, $0x1;
	s10 =	sld [smem:$0x3F7D]  }
0x3d: {  	_ =	shalt  }
0x3e: {  	_ =	shalt  }
0x3f: {  	_ =	shalt  }
0x40: {  	_ =	shalt  }
0x41: {  	_ =	shalt  }
0x42: {  	_ =	shalt  }
0x43: {  	_ =	shalt  }
0x44: {  	_ =	shalt  }
0x45: {  	_ =	shalt  }
0x46: {  	_ =	shalt  }
0x47: {  	_ =	shalt  }
0x48: {  	_ =	shalt  }
0x49: {  	_ =	shalt  }
0x4a: {  	_ =	shalt  }
0x4b: {  	_ =	shalt  }
0x4c: {  	_ =	shalt  }
0x4d: {  	_ =	shalt  }
0x4e: {  	_ =	shalt  }
0x4f: {  	_ =	shalt  }
0x50: {  	_ =	shalt  }
0x51: {  	_ =	shalt  }
0x52: {  	_ =	shalt  }
0x53: {  	_ =	shalt  }
0x54: {  	_ =	shalt  }
0x55: {  	_ =	shalt  }
0x56: {  	_ =	shalt  }
0x57: {  	_ =	shalt  }
0x58: {  	_ =	shalt  }
0x59: {  	_ =	shalt  }
0x5a: {  	_ =	shalt  }
0x5b: {  	_ =	shalt  }
0x5c: {  	_ =	shalt  }
0x5d: {  	_ =	shalt  }
0x5e: {  	_ =	shalt  }
0x5f: {  	_ =	shalt  }
0x60: {  	_ =	shalt  }
0x61: {  	_ =	shalt  }
0x62: {  	_ =	shalt  }
0x63: {  	_ =	shalt  }
0x64: {  	_ =	shalt  }
0x65: {  	_ =	shalt  }
0x66: {  	_ =	shalt  }
0x67: {  	_ =	shalt  }
0x68: {  	_ =	shalt  }
0x69: {  	_ =	shalt  }
0x6a: {  	_ =	shalt  }
0x6b: {  	_ =	shalt  }
0x6c: {  	_ =	shalt  }
0x6d: {  	_ =	shalt  }
0x6e: {  	_ =	shalt  }
0x6f: {  	_ =	shalt  }
0x70: {  	_ =	shalt  }
0x71: {  	_ =	shalt  }
0x72: {  	_ =	shalt  }
0x73: {  	_ =	shalt  }
0x74: {  	_ =	shalt  }
0x75: {  	_ =	shalt  }
0x76: {  	_ =	shalt  }
0x77: {  	_ =	shalt  }
0x78: {  	_ =	shalt  }
0x79: {  	_ =	shalt  }
0x7a: {  	_ =	shalt  }
0x7b: {  	_ =	shalt  }
0x7c: {  	_ =	shalt  }
0x7d: {  	_ =	shalt  }
0x7e: {  	_ =	shalt  }
0x7f: {  	_ =	shalt  }
0x80: {  	_ =	shalt  }
0x81: {  	_ =	shalt  }
0x82: {  	_ =	shalt  }
0x83: {  	_ =	shalt  }
0x84: {  	_ =	shalt  }
0x85: {  	_ =	shalt  }
0x86: {  	_ =	shalt  }
0x87: {  	_ =	shalt  }
.Lfunc_end0:
.L_simem_size_0:
called_computation_lowered:
.L_overlay_start_0:
0x88: {  	s2 =	sld [smem:$0x3FD9]  }
0x89: {  	s3 =	sld [smem:$0x3FFE];
	_ =	sdelay $0x1  }
0x8a: {  	s1 =	srdreg.scid  }
0x8b: {  	s0 =	sand.u32 $0x1, s1  }
0x8c: {  	s17 =	sshll.u32 s0, $0xA;
	s2 =	sadd.s32 s3, s2  }
0x8d: {  	s2 =	sadd.s32 s2, s17  }
0x8e: {  	[smem:$0x3F89] =	sst s2  }
0x8f: {  	_ = 	snop  }
0x90: {  	s2 =	sld [smem:$0x3FC9];
	(tm) =	ssettm $0x1  }
0x91: {  	s18 =	sld [smem:$0x3FFB];
	_ =	sdelay $0x3  }
0x92: {  	_ =	strace s18  }
0x93: {  	s3 =	sld [smem:$0x3FFC];
	_ =	sdelay $0x3  }
0x94: {  	_ =	strace s3  }
0x95: {  	s3 =	sld [smem:$0x3FFD];
	_ =	sdelay $0x3  }
0x96: {  	_ =	strace s3  }
0x97: {  	_ =	strace $0x8FFFFFFF  }
0x98: {  	s19 =	sld [smem:$0x3FDB];
	_ =	sdelay $0x1  }
0x99: {  	s4 =	simm.s32 $_scs_section_size  }
0x9a: {  	s5 =	simm.s32 $_size__tile_overlayer_lowered;
	s6 =	simm.s32 $_tile_overlayer_lowered  }
0x9b: {  	s22 =	simm.s32 $0x1BFF;
	s21 =	sshll.u32 s6, $0x1;
	s3 =	sadd.s32 s4, s19  }
0x9c: {  	s7 =	simm.s32 $0x0;
	s20 =	sshll.u32 s5, $0x1;
	s5 =	sadd.s32 s21, s3  }
0x9d: {  	[timem:s7], [sflag:s22] =	dma.local [hbm:s5], s20  }
0x9e: {  	_ =	swait.ge [sflag:s22], s20  }
0x9f: {  	s4 =	ssub.s32 $0x0, s20;
	[sflag:s22] =	ssyncset.done $0x0  }
0xa0: {  	[sflag:s22] =	ssyncadd.s32 s4;
	_ =	sdelay $0x1  }
0xa1: {  	s23 =	simm.s32 $0x1B8B  }
0xa2: {  	_ =	swait.ge [sflag:s23], $0x1  }
0xa3: {  	[sflag:s23] =	ssyncset.done $0x0  }
0xa4: {  	s25 =	simm.s32 $0x1B8E;
	s24 =	sld [smem:$0x3FFE];
	[sflag:s23] =	ssyncadd.s32 $0xFFFFFFFF  }
0xa5: {  	s26 =	simm.s32 $execute0_lowered;
	[smem:$0x3FD2] =	sst s25  }
0xa6: {  	s5 =	sshll.u32 s26, $0x1;
	_ =	strace $0x80000046;
	[dreg:$0x1] =	wrdreg $0xFFFFFFFF  }
0xa7: {  	s28 =	simm.s32 $_size_execute0_lowered;
	s3 =	sadd.s32 s3, s5;
	[dreg:$0x0] =	wrdreg $0x0  }
0xa8: {  	s5 =	sshll.u32 s28, $0x1;
	[dreg:$0x2] =	wrdreg s3  }
0xa9: {  	[dreg:$0x3] =	wrdreg s5  }
0xaa: {  	[dreg:$0x4] =	wrdreg $0xC0  }
0xab: {  	_ =	task [dreg:s7], $0x5FFFF  }
0xac: {  	[dreg:$0x1] =	wrdreg $0xFFFFFFFF  }
0xad: {  	[dreg:$0x0] =	wrdreg $0x60  }
0xae: {  	[dreg:$0x2] =	wrdreg s2  }
0xaf: {  	[dreg:$0x3] =	wrdreg s24  }
0xb0: {  	[dreg:$0x4] =	wrdreg $0x8F000  }
0xb1: {  	[dreg:$0x5] =	wrdreg $0x9  }
0xb2: {  	_ =	task.clear_ibuf [dreg:s7], $0x6FFFF;
	_ =	strace $0x90000046  }
0xb3: {  	s29 =	simm.s32 $0x9;
	_ =	strace $0x80000048  }
0xb4: {  	_ =	swait.ge [sflag:s29], $0x1  }
0xb5: {  	[sflag:s29] =	ssyncadd.s32 $0xFFFFFFFF  }
0xb6: {  	_ =	strace $0x90000048  }
0xb7: {  	_ =	sfence  }
0xb8: {  	s30 =	sld [smem:$0x0];
	_ =	sdelay $0x2  }
0xb9: {  	s31 =	sshll.u32 s1, $0xD;
	s1 =	sshrl.u32 s1, $0x2  }
0xba: {  	s3 =	sand.u32 $0x4000, s31;
	s1 =	sadd.s32 s1, s30  }
0xbb: {  	s0 =	sor.u32 s3, s0;
	s1 =	sshll.u32 s1, $0x11  }
0xbc: {  	s0 =	sor.u32 s1, s0  }
0xbd: {  	s0 =	sadd.s32 $0x8F2B, s0  }
0xbe: {  	[sflag:s0] =	ssyncadd.remote.s32 $0x1  }
0xbf: {  	_ =	sfence.sel $0xFFFF  }
0xc0: {  	[dreg:$0x0] =	wrdreg $0xFFFFFFFF;
	(pc) =	sbr.abs _section_cstart, $3  }
0xc1: {  	[dreg:$0x1] =	wrdreg $0xFFFFFFFF  }
0xc2: {  	_ =	task.clear_ibuf [dreg:s7], $0x2FFFF;
	_ =	strace $0x9FFFFFFF  }
0xc3: {  	(tm) =	ssettm $0x7FFFFFFF  }
tec
execute0_lowered:
.L_overlay_start_1:
0x0: {  	(tag) =	ssettag $0x1  }
0x1: {  	s1 =	rddreg [dreg:$0x0]  }
0x2: {  	s6 =	rddreg [dreg:$0x1]  }
0x3: {  	s2 =	srdreg.scid;
	s0 =	stileid.u32  }
0x4: {  	s3 =	rddreg [dreg:$0x2];
	s4 =	simm.s32 $0x0;
	s13 =	simm.s32 $0x80  }
0x5: {  	s14 =	simm.s32 $0x4F00;
	s5 =	sand.u32 $0x1, s2;
	s2 =	rddreg [dreg:$0x3]  }
0x6: {  	s15 =	simm.s32 $0x1;
	s7 =	sshll.u32 s0, $0x1;
	[smem:$0x7FF] =	sst s4  }
0x7: {  	s11 =	smul.u32 $0x14000, s0;
	s31 =	sshll.u32 s0, $0x6;
	s7 =	sor.u32 s5, s7  }
0x8: {  	_ =	strace $0x80000047;
	s8 =	smul.u32 $0x28000, s5;
	s9 =	ssub.s32 $0x2, s5  }
0x9: {  	s5 =	sadd.s32 $0x1C800, s6;
	s7 =	smul.u32 $0x4F0, s7;
	s10 =	sshrl.u32 s9, $0x1  }
0xa: {  	s12 =	sadd.s32 s11, s3;
	s17 =	sshrl.u32 s11, $0x3;
	s11 =	sor.u32 $0x1C02, s31  }
0xb: {  	s8 =	sadd.s32 s8, s6;
	s9 =	ssub.s32 s9, s10;
	s10 =	simm.s32 $0x2780  }
0xc: {  	s12 =	sshrl.u32 s12, $0x3;
	s7 =	sadd.s32 s7, s6;
	s16 =	sadd.s32 $0x1F000, s8  }
0xd: {  	s8 =	smax.u32 s9, $0x1;
	s9 =	simm.s32 $0x2;
	s6 =	sadd.s32 $0x12A00, s7  }
0xe: {  	s7 =	sadd.s32 $0x8C00, s7;
	s16 =	sadd.s32 s17, s16;
	s17 =	simm.s32 $0x0  }
.LBB2_1:
0xf: {  	[tilespmem:s4], [sflag:$0x2] =	stream.linear.gather [hbm4b:s6+s4], $0x2780, $0x38;
	[tilespmem:$0x1CF00] =	vst v63  }
0x10: {  	_ =	swait.ge [sflag:s9], $0x2780  }
0x11: {  	[sflag:s9] =	ssyncset.done $0x0  }
0x12: {  	[sflag:s9] =	ssyncadd.s32 $0xFFFFD880  }
0x13: {  	[tilespmem:s10], [sflag:$0x2] =	stream.linear.gather [hbm4b:s7+s4], $0x2780, $0x38;
	[tilespmem:$0x1CF00] =	vst v63  }
0x14: {  	_ =	swait.ge [sflag:s9], $0x2780  }
0x15: {  	[sflag:s9] =	ssyncset.done $0x0  }
0x16: {  	[sflag:s9] =	ssyncadd.s32 $0xFFFFD880  }
0x17: {  	[spmem:s12], [sflag:s11] =	dma.local [hbm:s5], $0x2800  }
0x18: {  	_ =	swait.ge [sflag:s9], $0x2800  }
0x19: {  	[sflag:s9] =	ssyncset.done $0x0  }
0x1a: {  	[sflag:s9] =	ssyncadd.s32 $0xFFFFD800  }
0x1b: {  	s18 =	simm.s32 $0x0;
	[bflag:$0x0] =	sbarrier.arrive $0xFFFF  }
0x1c: {  	[tilespmem:s14], [sflag:$0x1] =	stream.indirect.gather [hbm4b:s1+s13], $0x80, s18, s13, $0xb8;
	[tilespmem:$0x1CF00] =	vst v63  }
0x1d: {  	_ =	swait.ge [sflag:s15], $0x4000  }
0x1e: {  	[sflag:s15] =	ssyncset.done $0x0  }
0x1f: {  	s31 =	simm.s32 $0x2780;
	[sflag:s15] =	ssyncadd.s32 $0xFFFFC000  }
0x20: {  	[spmem:s3] =	stream.indirect.scatter.add.f32 [tilespmem:s14], [sflag:$0x2], $0x80, s31, s13, $0xb8;
	[tilespmem:$0x1CF00] =	vst v63  }
0x21: {  	_ =	swait.ge [sflag:s9], $0x4000  }
0x22: {  	s19 =	simm.s32 $0x400;
	s18 =	simm.s32 $0x200;
	[sflag:s9] =	ssyncset.done $0x0  }
.LBB2_2:
0x23: {  	s20 =	sshra.s32 s18, $0x2  }
0x24: {  	[sflag:s9] =	ssyncadd.s32 $0xFFFFC000;
	s18 =	smov.u32 s19;
	s21 =	sadd.s32 $0x200, s19  }
0x25: {  	[tilespmem:s14], [sflag:$0x1] =	stream.indirect.gather [hbm4b:s1+s13], $0x80, s20, s13, $0xb8;
	[tilespmem:$0x1CF00] =	vst v63  }
0x26: {  	p0 =	sne.s32 s19, $0x9C00;
	_ =	swait.ge [sflag:s15], $0x4000  }
.Ltmp0:
0x27: {  	[sflag:s15] =	ssyncset.done $0x0;
	(pc) =	sbr.rel @p0 .LBB2_2-.Ltmp0, $4  }
0x28: {  	s19 =	sadd.s32 $0x2780, s20;
	[sflag:s15] =	ssyncadd.s32 $0xFFFFC000  }
0x29: {  	[spmem:s3] =	stream.indirect.scatter.add.f32 [tilespmem:s14], [sflag:$0x2], $0x80, s19, s13, $0xb8;
	[tilespmem:$0x1CF00] =	vst v63  }
0x2a: {  	_ =	swait.ge [sflag:s9], $0x4000  }
0x2b: {  	s19 =	smov.u32 s21;
	[sflag:s9] =	ssyncset.done $0x0  }
0x2c: {  	s18 =	sshra.s32 s18, $0x2;
	[sflag:s9] =	ssyncadd.s32 $0xFFFFC000  }
0x2d: {  	[tilespmem:s14], [sflag:$0x1] =	stream.indirect.gather [hbm4b:s1+s13], $0x80, s18, s13, $0xb8;
	[tilespmem:$0x1CF00] =	vst v63  }
0x2e: {  	_ =	swait.ge [sflag:s15], $0x4000  }
0x2f: {  	[sflag:s15] =	ssyncset.done $0x0  }
0x30: {  	s18 =	sadd.s32 $0x2780, s18;
	[sflag:s15] =	ssyncadd.s32 $0xFFFFC000  }
0x31: {  	[spmem:s3] =	stream.indirect.scatter.add.f32 [tilespmem:s14], [sflag:$0x2], $0x80, s18, s13, $0xb8;
	[tilespmem:$0x1CF00] =	vst v63  }
0x32: {  	_ =	swait.ge [sflag:s9], $0x4000  }
0x33: {  	s17 =	sadd.s32 $0x1, s17;
	[sflag:s9] =	ssyncset.done $0x0  }
0x34: {  	p0 =	sne.s32 s17, s8;
	[sflag:s9] =	ssyncadd.s32 $0xFFFFC000  }
.Ltmp1:
0x35: {  	[bflag:$0x0] =	sbarrier.arrive $0xFFFF;
	(pc) =	sbr.rel @p0 .LBB2_1-.Ltmp1, $4  }
0x36: {  	[hbm:s16], [sflag:s11] =	dma.local [spmem:s12], $0x2800  }
0x37: {  	_ =	swait.ge [sflag:s9], $0x2800  }
0x38: {  	[sflag:s9] =	ssyncset.done $0x0  }
0x39: {  	[sflag:s9] =	ssyncadd.s32 $0xFFFFD800  }
0x3a: {  	_ =	sfence.sel $0x180000  }
0x3b: {  	[bflag:$0x0] =	sbarrier.arrive $0xFFFF  }
0x3c: {  	p0 =	sne.s32 s0, $0x0;
	_ =	strace $0x90000047  }
0x3d: {  	s0 =	sadd.s32 @!p0 $0x100000, s2;
	[bflag:$0x2] =	sbarrier.arrive $0xFFFF  }
0x3e: {  	[sflag:s0] =	ssyncadd.tile.s32 @!p0 $0x1;
	_ =	shalt  }
.Lfunc_end2:
_tile_overlayer_lowered:
.L_overlay_start_2:
0x3f: {  	(tag) =	ssettag $0x2  }
0x40: {  	s0 =	rddreg [dreg:$0x0];
	s2 =	stileid.u32  }
0x41: {  	s1 =	rddreg [dreg:$0x1];
	p0 =	sne.s32 s2, $0x0  }
0x42: {  	s3 =	rddreg [dreg:$0x2];
	[bflag:$0x3] =	sbarrier.arrive $0xFFFF;
	s2 =	simm.s32 @!p0 $0x1C02  }
0x43: {  	[timem:s3], [sflag:s2] =	dma.local @!p0 [hbm:s0], s1  }
0x44: {  	s0 =	simm.s32 @!p0 $0x2  }
0x45: {  	_ =	swait.ge @!p0 [sflag:s0], s1  }
0x46: {  	s1 =	ssub.s32 @!p0 $0x0, s1;
	[sflag:s0] =	ssyncset.done @!p0 $0x0  }
0x47: {  	[sflag:s0] =	ssyncadd.s32 @!p0 s1  }
0x48: {  	[bflag:$0x3] =	sbarrier.arrive $0xFFFF  }
0x49: {  	_ =	shalt  }

</sc_bundles>
